<compile_context>
chip_gen: v7x
topology: tpu7x:2x2x1
jax: 0.10.2.dev20260603
libtpu: 0.0.44.dev20260713+nightly
codegen_flags: <defaults>
</compile_context>

<pallas_src>
import functools

import jax
import jax.numpy as jnp
from jax import lax
from jax.experimental import pallas as pl
from jax.experimental.pallas import tpu as pltpu
from jax.experimental.pallas import tpu_sc as plsc

DIM = 128
N_NODES = 512
N_EDGES = 8192
N_ROWS = N_NODES * N_NODES
NC, NS = 2, 16
NW = NC * NS
R = N_ROWS // NW
PB = 256
NBLK = R // PB
LANES = 16
DMASK = N_ROWS - 1


def _prep_body(nn_ref, ei_ref, feat_ref, t0_ref, t1_ref, t2_ref,
               ctable_ref, pk_ref):
    r = lax.broadcasted_iota(jnp.int32, (64, 1), 0)
    j0 = lax.broadcasted_iota(jnp.int32, (64, 5), 1)
    j1 = lax.broadcasted_iota(jnp.int32, (64, 6), 1)
    j2 = lax.broadcasted_iota(jnp.int32, (64, 2), 1)
    oh0 = (j0 == r // 12).astype(jnp.float32)
    oh1 = (j1 == (r // 2) % 6).astype(jnp.float32)
    oh2 = (j2 == r % 2).astype(jnp.float32)
    ctable_ref[...] = (
        jnp.dot(oh0, t0_ref[...], preferred_element_type=jnp.float32,
                precision=lax.Precision.HIGHEST)
        + jnp.dot(oh1, t1_ref[...], preferred_element_type=jnp.float32,
                  precision=lax.Precision.HIGHEST)
        + jnp.dot(oh2, t2_ref[...], preferred_element_type=jnp.float32,
                  precision=lax.Precision.HIGHEST)
    )
    off = nn_ref[0] - N_NODES
    x = ei_ref[0, :] + off
    y = ei_ref[1, :] + off
    f = feat_ref[...]
    cidx = f[:, 0] * 12 + f[:, 1] * 2 + f[:, 2]
    pk_ref[...] = (x * N_NODES + y) | lax.shift_left(cidx, 18)


_prep = pl.pallas_call(
    _prep_body,
    in_specs=[
        pl.BlockSpec(memory_space=pltpu.SMEM),
        pl.BlockSpec(),
        pl.BlockSpec(),
        pl.BlockSpec(),
        pl.BlockSpec(),
        pl.BlockSpec(),
    ],
    out_shape=(
        jax.ShapeDtypeStruct((64, DIM), jnp.float32),
        jax.ShapeDtypeStruct((N_EDGES,), jnp.int32),
    ),
)


@functools.partial(
    pl.kernel,
    out_type=jax.ShapeDtypeStruct((N_ROWS, DIM), jnp.float32),
    mesh=plsc.VectorSubcoreMesh(
        core_axis_name="c", subcore_axis_name="s", num_cores=NC, num_subcores=NS
    ),
    compiler_params=pltpu.CompilerParams(needs_layout_passes=False),
    scratch_types=[
        pltpu.VMEM((PB, DIM), jnp.float32),
        pltpu.VMEM((PB, DIM), jnp.float32),
        pltpu.VMEM((64, DIM), jnp.float32),
        pltpu.VMEM((N_EDGES,), jnp.int32),
        pltpu.VMEM((N_EDGES,), jnp.int32),
        pltpu.VMEM((N_EDGES,), jnp.int32),
        pltpu.VMEM((N_EDGES,), jnp.int32),
        pltpu.SemaphoreType.DMA,
        pltpu.SemaphoreType.DMA,
    ],
)
def _sc_fill_scatter(pk_hbm, ctable_hbm, pad_hbm, out_hbm,
                     buf_a, buf_b, ctable_v, pk_v, myent, blk_a, blk_b,
                     sem_a, sem_b):
    wid = lax.axis_index("c") * NS + lax.axis_index("s")
    row0 = wid * R
    lo = row0
    hi = row0 + R

    iota = lax.iota(jnp.int32, LANES)
    zeros = iota * 0

    pltpu.sync_copy(pad_hbm, buf_a.at[0])
    pvs = [buf_a[0, pl.ds(d * LANES, LANES)] for d in range(DIM // LANES)]

    def _fill_rows(buf, start):
        def _fill_row(rr, carry):
            for d in range(DIM // LANES):
                buf[rr, pl.ds(d * LANES, LANES)] = pvs[d]
            return carry
        lax.fori_loop(start, PB, _fill_row, 0)

    _fill_rows(buf_a, 1)
    _fill_rows(buf_b, 0)

    pltpu.sync_copy(ctable_hbm, ctable_v)
    pltpu.sync_copy(pk_hbm, pk_v)

    def _compact(i, off):
        pk = pk_v[pl.ds(i * LANES, LANES)]
        v = pk & DMASK
        m = (v >= lo) & (v < hi)
        mi = m.astype(jnp.int32)
        cs = plsc.cumsum(mi)
        pos = jnp.maximum(off + cs - 1, 0)
        plsc.store_scatter(myent, [pos], pk, mask=m)
        return off + cs[LANES - 1]

    n = lax.fori_loop(0, N_EDGES // LANES, _compact, jnp.int32(0))
    nit = lax.shift_right_logical(n + (LANES - 1), 4)

    def _blk_compact(blk, dstlist):
        def body(i, carry):
            off, ev = carry
            pk = myent[pl.ds(i * LANES, LANES)]
            d = pk & DMASK
            m = ((lax.shift_right_logical(d - lo, 8) == blk) & (ev < n))
            mi = m.astype(jnp.int32)
            cs = plsc.cumsum(mi)
            pos = jnp.maximum(off + cs - 1, 0)
            plsc.store_scatter(dstlist, [pos], pk, mask=m)
            return off + cs[LANES - 1], ev + LANES

        nb, _ = lax.fori_loop(0, nit, body, (jnp.int32(0), iota))
        return nb

    def _patch(buf, lst, nb):
        def body(e, esplat):
            pks = plsc.load_gather(lst, [esplat])[0]
            rr = pks & (PB - 1)
            cc = lax.shift_right_logical(pks, 18)
            for d in range(DIM // LANES):
                buf[rr, pl.ds(d * LANES, LANES)] = (
                    ctable_v[cc, pl.ds(d * LANES, LANES)])
            return esplat + 1
        lax.fori_loop(0, nb, body, zeros)

    def _unpatch(buf, lst, nb):
        def body(e, esplat):
            pks = plsc.load_gather(lst, [esplat])[0]
            rr = pks & (PB - 1)
            for d in range(DIM // LANES):
                buf[rr, pl.ds(d * LANES, LANES)] = pvs[d]
            return esplat + 1
        lax.fori_loop(0, nb, body, zeros)

    def _fire(buf, blk_scalar, sem):
        pltpu.async_copy(
            buf, out_hbm.at[pl.ds(row0 + blk_scalar * PB, PB)], sem)

    def _drain(buf, sem):
        pltpu.make_async_copy(buf, out_hbm.at[pl.ds(row0, PB)], sem).wait()

    na0 = _blk_compact(zeros, blk_a)
    _patch(buf_a, blk_a, na0)
    _fire(buf_a, jnp.int32(0), sem_a)
    nb0 = _blk_compact(zeros + 1, blk_b)
    _patch(buf_b, blk_b, nb0)
    _fire(buf_b, jnp.int32(1), sem_b)

    def _step(t, carry):
        na_p, nb_p, bva, bvb = carry
        bva = bva + 2
        bvb = bvb + 2
        _drain(buf_a, sem_a)
        _unpatch(buf_a, blk_a, na_p)
        na = _blk_compact(bva, blk_a)
        _patch(buf_a, blk_a, na)
        _fire(buf_a, bva[0], sem_a)
        _drain(buf_b, sem_b)
        _unpatch(buf_b, blk_b, nb_p)
        nbn = _blk_compact(bvb, blk_b)
        _patch(buf_b, blk_b, nbn)
        _fire(buf_b, bvb[0], sem_b)
        return na, nbn, bva, bvb

    lax.fori_loop(1, NBLK // 2, _step, (na0, nb0, zeros, zeros + 1))

    _drain(buf_a, sem_a)
    _drain(buf_b, sem_b)


def kernel(edge_index, edge_feat, num_nodes, padding_emb, table0, table1, table2):
    nn = jnp.asarray(num_nodes, jnp.int32).reshape(1)
    ctable, pk = _prep(nn, edge_index.astype(jnp.int32),
                       edge_feat.astype(jnp.int32), table0, table1, table2)
    out = _sc_fill_scatter(pk, ctable, padding_emb)
    return out.reshape(N_NODES, N_NODES, DIM)

# --- scband reference (transcript-rebuilt; emitter-appended) ---
"""Pipeline reference for scband-extended-bond-encoder-87256555585587 (READ-ONLY COPY).

The authoritative reference and input builder live on the scoring server;
editing this copy changes nothing except your own understanding.
"""

import jax, jax.numpy as jnp
import numpy as np

DIM = 128
NUM_NODES = 512
NUM_EDGES = 8192
# OGB-style BondEncoder: 3 categorical bond features with vocab sizes [5, 6, 2]
BOND_VOCABS = [5, 6, 2]


def setup_inputs(seed: int = 0) -> dict:
    key = jax.random.key(seed)
    k1, k2, k3, k4, k5, k6 = jax.random.split(key, 6)
    edge_index = jax.random.randint(k1, (2, NUM_EDGES), 0, NUM_NODES, dtype=jnp.int32)
    # values in [0,2) so they are in-range for every bond embedding table
    edge_feat = jax.random.randint(k2, (NUM_EDGES, 3), 0, 2, dtype=jnp.int32)
    padding_emb = jax.random.normal(k3, (DIM,), dtype=jnp.float32) * 0.1
    table0 = jax.random.normal(k4, (BOND_VOCABS[0], DIM), dtype=jnp.float32) * 0.1
    table1 = jax.random.normal(k5, (BOND_VOCABS[1], DIM), dtype=jnp.float32) * 0.1
    table2 = jax.random.normal(k6, (BOND_VOCABS[2], DIM), dtype=jnp.float32) * 0.1
    return {
        "edge_index": edge_index,
        "edge_feat": edge_feat,
        "num_nodes": NUM_NODES,
        "padding_emb": padding_emb,
        "table0": table0,
        "table1": table1,
        "table2": table2,
    }


def reference(edge_index, edge_feat, num_nodes, padding_emb, table0, table1, table2):
    # BondEncoder: sum of per-feature embedding lookups
    bond = (
        jnp.take(table0, edge_feat[:, 0], axis=0)
        + jnp.take(table1, edge_feat[:, 1], axis=0)
        + jnp.take(table2, edge_feat[:, 2], axis=0)
    )
    # padding_emb.repeat(num_nodes, num_nodes, 1)
    edge_result = jnp.tile(padding_emb, (NUM_NODES, NUM_NODES, 1))
    num_nodes_offset = jnp.asarray(num_nodes, dtype=jnp.int32) - NUM_NODES
    xindex = edge_index[0] + num_nodes_offset
    yindex = edge_index[1] + num_nodes_offset
    # scatter-overwrite: edge_result[xindex, yindex] = bond
    edge_result = edge_result.at[xindex, yindex].set(bond)
    return edge_result

if __name__ == "__main__":
    import jax
    _d = setup_inputs()
    print(jax.jit(kernel)(*tuple(_d.values())))

</pallas_src>

<mosaic_0001>
#map = affine_map<(d0, d1) -> (0)>
#map1 = affine_map<(d0, d1) -> (0, 0)>
module attributes {stable_mosaic.version = 14 : i64} {
  func.func @_sc_fill_scatter(%arg0: i32, %arg1: i32, %arg2: memref<8192xi32, #tpu.memory_space<hbm>>, %arg3: memref<64x128xf32, #tpu.memory_space<hbm>>, %arg4: memref<128xf32, #tpu.memory_space<hbm>>, %arg5: memref<262144x128xf32, #tpu.memory_space<hbm>>, %arg6: memref<256x128xf32, #tpu.memory_space<vmem>>, %arg7: memref<256x128xf32, #tpu.memory_space<vmem>>, %arg8: memref<64x128xf32, #tpu.memory_space<vmem>>, %arg9: memref<8192xi32, #tpu.memory_space<vmem>>, %arg10: memref<8192xi32, #tpu.memory_space<vmem>>, %arg11: memref<8192xi32, #tpu.memory_space<vmem>>, %arg12: memref<8192xi32, #tpu.memory_space<vmem>>, %arg13: memref<!tpu.dma_semaphore, #tpu.memory_space<semaphore_mem>>, %arg14: memref<!tpu.dma_semaphore, #tpu.memory_space<semaphore_mem>>) attributes {dimension_semantics = [#tpu.dimension_semantics<core_parallel>, #tpu.dimension_semantics<subcore_parallel>], iteration_bounds = array<i64: 2, 16>, scalar_prefetch = 0 : i64, scratch_operands = 9 : i64, tpu.core_type = #tpu.core_type<sc_vector_subcore>, window_params = [{transform_indices = #map}, {transform_indices = #map1}, {transform_indices = #map}, {transform_indices = #map1}]} {
    %mul3A = arith.constant 16 : i32
    %mul3A_0 = arith.muli %arg0, %mul3A : i32
    %add3A = arith.addi %mul3A_0, %arg1 : i32
    %mul3A_1 = arith.constant 8192 : i32
    %mul3A_2 = arith.muli %add3A, %mul3A_1 : i32
    %add3A_3 = arith.constant 8192 : i32
    %add3A_4 = arith.addi %mul3A_2, %add3A_3 : i32
    %iota3A = tpu.iota {dimensions = array<i32: 0>} : vector<16xi32>
    %mul3A_5 = arith.constant 0 : i32
    %mul3A_6 = vector.broadcast %mul3A_5 : i32 to vector<16xi32>
    %mul3A_7 = arith.muli %iota3A, %mul3A_6 : vector<16xi32>
    %run_scoped3A = arith.constant 0 : i32
    "tpu.region"() ({
      %run_scoped3A_139 = tpu.sem_alloc : memref<!tpu.dma_semaphore, #tpu.memory_space<semaphore_mem>>
      %dma_start3A_140 = arith.constant 0 : i32
      %dma_start3A_141 = tpu.memref_slice %arg6[%run_scoped3A, %dma_start3A_140] : memref<256x128xf32, #tpu.memory_space<vmem>> -> memref<1x128xf32, #tpu.memory_space<vmem>>
      %dma_start3A_142 = tpu.memref_squeeze %dma_start3A_141 : memref<1x128xf32, #tpu.memory_space<vmem>> -> memref<128xf32, #tpu.memory_space<vmem>>
      %dma_start3A_143 = arith.constant 0 : i32
      %dma_start3A_144 = tpu.memref_slice %arg6[%run_scoped3A, %dma_start3A_143] : memref<256x128xf32, #tpu.memory_space<vmem>> -> memref<1x128xf32, #tpu.memory_space<vmem>>
      %dma_start3A_145 = tpu.memref_squeeze %dma_start3A_144 : memref<1x128xf32, #tpu.memory_space<vmem>> -> memref<128xf32, #tpu.memory_space<vmem>>
      tpu.enqueue_dma source(%arg4 : memref<128xf32, #tpu.memory_space<hbm>>) target(%dma_start3A_145 : memref<128xf32, #tpu.memory_space<vmem>>) target_semaphore(%run_scoped3A_139 : memref<!tpu.dma_semaphore, #tpu.memory_space<semaphore_mem>>)
      %dma_wait3A_146 = arith.constant 0 : i32
      %dma_wait3A_147 = tpu.memref_slice %arg6[%run_scoped3A, %dma_wait3A_146] : memref<256x128xf32, #tpu.memory_space<vmem>> -> memref<1x128xf32, #tpu.memory_space<vmem>>
      %dma_wait3A_148 = tpu.memref_squeeze %dma_wait3A_147 : memref<1x128xf32, #tpu.memory_space<vmem>> -> memref<128xf32, #tpu.memory_space<vmem>>
      %dma_wait3A_149 = arith.constant 0 : i32
      %dma_wait3A_150 = tpu.memref_slice %arg6[%run_scoped3A, %dma_wait3A_149] : memref<256x128xf32, #tpu.memory_space<vmem>> -> memref<1x128xf32, #tpu.memory_space<vmem>>
      %dma_wait3A_151 = tpu.memref_squeeze %dma_wait3A_150 : memref<1x128xf32, #tpu.memory_space<vmem>> -> memref<128xf32, #tpu.memory_space<vmem>>
      tpu.wait_dma2 semaphore(%run_scoped3A_139 : memref<!tpu.dma_semaphore, #tpu.memory_space<semaphore_mem>>) src(%arg4 : memref<128xf32, #tpu.memory_space<hbm>>) dst(%dma_wait3A_151 : memref<128xf32, #tpu.memory_space<vmem>>)
      tpu.yield
    }) : () -> ()
    %get3A = arith.constant 0 : i32
    %get3A_8 = arith.index_cast %get3A : i32 to index
    %get3A_9 = arith.constant 0 : index
    %get3A_10 = tpu.vector_load %arg6[%get3A_8, %get3A_9] {strides = array<i32>} : memref<256x128xf32, #tpu.memory_space<vmem>>, vector<16xf32>,
    %get3A_11 = arith.constant 0 : i32
    %get3A_12 = arith.index_cast %get3A_11 : i32 to index
    %get3A_13 = arith.constant 16 : index
    %get3A_14 = tpu.vector_load %arg6[%get3A_12, %get3A_13] {strides = array<i32>} : memref<256x128xf32, #tpu.memory_space<vmem>>, vector<16xf32>,
    %get3A_15 = arith.constant 0 : i32
    %get3A_16 = arith.index_cast %get3A_15 : i32 to index
    %get3A_17 = arith.constant 32 : index
    %get3A_18 = tpu.vector_load %arg6[%get3A_16, %get3A_17] {strides = array<i32>} : memref<256x128xf32, #tpu.memory_space<vmem>>, vector<16xf32>,
    %get3A_19 = arith.constant 0 : i32
    %get3A_20 = arith.index_cast %get3A_19 : i32 to index
    %get3A_21 = arith.constant 48 : index
    %get3A_22 = tpu.vector_load %arg6[%get3A_20, %get3A_21] {strides = array<i32>} : memref<256x128xf32, #tpu.memory_space<vmem>>, vector<16xf32>,
    %get3A_23 = arith.constant 0 : i32
    %get3A_24 = arith.index_cast %get3A_23 : i32 to index
    %get3A_25 = arith.constant 64 : index
    %get3A_26 = tpu.vector_load %arg6[%get3A_24, %get3A_25] {strides = array<i32>} : memref<256x128xf32, #tpu.memory_space<vmem>>, vector<16xf32>,
    %get3A_27 = arith.constant 0 : i32
    %get3A_28 = arith.index_cast %get3A_27 : i32 to index
    %get3A_29 = arith.constant 80 : index
    %get3A_30 = tpu.vector_load %arg6[%get3A_28, %get3A_29] {strides = array<i32>} : memref<256x128xf32, #tpu.memory_space<vmem>>, vector<16xf32>,
    %get3A_31 = arith.constant 0 : i32
    %get3A_32 = arith.index_cast %get3A_31 : i32 to index
    %get3A_33 = arith.constant 96 : index
    %get3A_34 = tpu.vector_load %arg6[%get3A_32, %get3A_33] {strides = array<i32>} : memref<256x128xf32, #tpu.memory_space<vmem>>, vector<16xf32>,
    %get3A_35 = arith.constant 0 : i32
    %get3A_36 = arith.index_cast %get3A_35 : i32 to index
    %get3A_37 = arith.constant 112 : index
    %get3A_38 = tpu.vector_load %arg6[%get3A_36, %get3A_37] {strides = array<i32>} : memref<256x128xf32, #tpu.memory_space<vmem>>, vector<16xf32>,
    %scan3A = arith.constant 0 : i32
    %scan3A_39 = arith.constant 1 : i32
    %scan3A_40 = arith.constant 255 : i32
    %scan3A_41 = arith.addi %scan3A_39, %scan3A_40 : i32
    %scan3A_42 = arith.constant 1 : i32
    scf.for %scan3A_139 = %scan3A_39 to %scan3A_41 step %scan3A_42  : i32 {
      %swap3A = arith.index_cast %scan3A_139 : i32 to index
      %swap3A_140 = arith.constant 0 : index
      %swap3A_141 = tpu.vector_load %arg6[%swap3A, %swap3A_140] {strides = array<i32>} : memref<256x128xf32, #tpu.memory_space<vmem>>, vector<16xf32>,
      tpu.vector_store %arg6[%swap3A, %swap3A_140], %get3A_10 {strides = array<i32>} : memref<256x128xf32, #tpu.memory_space<vmem>>, vector<16xf32>,
      %swap3A_142 = arith.index_cast %scan3A_139 : i32 to index
      %swap3A_143 = arith.constant 16 : index
      %swap3A_144 = tpu.vector_load %arg6[%swap3A_142, %swap3A_143] {strides = array<i32>} : memref<256x128xf32, #tpu.memory_space<vmem>>, vector<16xf32>,
      tpu.vector_store %arg6[%swap3A_142, %swap3A_143], %get3A_14 {strides = array<i32>} : memref<256x128xf32, #tpu.memory_space<vmem>>, vector<16xf32>,
      %swap3A_145 = arith.index_cast %scan3A_139 : i32 to index
      %swap3A_146 = arith.constant 32 : index
      %swap3A_147 = tpu.vector_load %arg6[%swap3A_145, %swap3A_146] {strides = array<i32>} : memref<256x128xf32, #tpu.memory_space<vmem>>, vector<16xf32>,
      tpu.vector_store %arg6[%swap3A_145, %swap3A_146], %get3A_18 {strides = array<i32>} : memref<256x128xf32, #tpu.memory_space<vmem>>, vector<16xf32>,
      %swap3A_148 = arith.index_cast %scan3A_139 : i32 to index
      %swap3A_149 = arith.constant 48 : index
      %swap3A_150 = tpu.vector_load %arg6[%swap3A_148, %swap3A_149] {strides = array<i32>} : memref<256x128xf32, #tpu.memory_space<vmem>>, vector<16xf32>,
      tpu.vector_store %arg6[%swap3A_148, %swap3A_149], %get3A_22 {strides = array<i32>} : memref<256x128xf32, #tpu.memory_space<vmem>>, vector<16xf32>,
      %swap3A_151 = arith.index_cast %scan3A_139 : i32 to index
      %swap3A_152 = arith.constant 64 : index
      %swap3A_153 = tpu.vector_load %arg6[%swap3A_151, %swap3A_152] {strides = array<i32>} : memref<256x128xf32, #tpu.memory_space<vmem>>, vector<16xf32>,
      tpu.vector_store %arg6[%swap3A_151, %swap3A_152], %get3A_26 {strides = array<i32>} : memref<256x128xf32, #tpu.memory_space<vmem>>, vector<16xf32>,
      %swap3A_154 = arith.index_cast %scan3A_139 : i32 to index
      %swap3A_155 = arith.constant 80 : index
      %swap3A_156 = tpu.vector_load %arg6[%swap3A_154, %swap3A_155] {strides = array<i32>} : memref<256x128xf32, #tpu.memory_space<vmem>>, vector<16xf32>,
      tpu.vector_store %arg6[%swap3A_154, %swap3A_155], %get3A_30 {strides = array<i32>} : memref<256x128xf32, #tpu.memory_space<vmem>>, vector<16xf32>,
      %swap3A_157 = arith.index_cast %scan3A_139 : i32 to index
      %swap3A_158 = arith.constant 96 : index
      %swap3A_159 = tpu.vector_load %arg6[%swap3A_157, %swap3A_158] {strides = array<i32>} : memref<256x128xf32, #tpu.memory_space<vmem>>, vector<16xf32>,
      tpu.vector_store %arg6[%swap3A_157, %swap3A_158], %get3A_34 {strides = array<i32>} : memref<256x128xf32, #tpu.memory_space<vmem>>, vector<16xf32>,
      %swap3A_160 = arith.index_cast %scan3A_139 : i32 to index
      %swap3A_161 = arith.constant 112 : index
      %swap3A_162 = tpu.vector_load %arg6[%swap3A_160, %swap3A_161] {strides = array<i32>} : memref<256x128xf32, #tpu.memory_space<vmem>>, vector<16xf32>,
      tpu.vector_store %arg6[%swap3A_160, %swap3A_161], %get3A_38 {strides = array<i32>} : memref<256x128xf32, #tpu.memory_space<vmem>>, vector<16xf32>,
    }
    %scan3A_43 = arith.constant 255 : i32
    %scan3A_44 = arith.constant 0 : i32
    %scan3A_45 = arith.constant 0 : i32
    %scan3A_46 = arith.constant 256 : i32
    %scan3A_47 = arith.addi %scan3A_45, %scan3A_46 : i32
    %scan3A_48 = arith.constant 1 : i32
    scf.for %scan3A_139 = %scan3A_45 to %scan3A_47 step %scan3A_48  : i32 {
      %swap3A = arith.index_cast %scan3A_139 : i32 to index
      %swap3A_140 = arith.constant 0 : index
      %swap3A_141 = tpu.vector_load %arg7[%swap3A, %swap3A_140] {strides = array<i32>} : memref<256x128xf32, #tpu.memory_space<vmem>>, vector<16xf32>,
      tpu.vector_store %arg7[%swap3A, %swap3A_140], %get3A_10 {strides = array<i32>} : memref<256x128xf32, #tpu.memory_space<vmem>>, vector<16xf32>,
      %swap3A_142 = arith.index_cast %scan3A_139 : i32 to index
      %swap3A_143 = arith.constant 16 : index
      %swap3A_144 = tpu.vector_load %arg7[%swap3A_142, %swap3A_143] {strides = array<i32>} : memref<256x128xf32, #tpu.memory_space<vmem>>, vector<16xf32>,
      tpu.vector_store %arg7[%swap3A_142, %swap3A_143], %get3A_14 {strides = array<i32>} : memref<256x128xf32, #tpu.memory_space<vmem>>, vector<16xf32>,
      %swap3A_145 = arith.index_cast %scan3A_139 : i32 to index
      %swap3A_146 = arith.constant 32 : index
      %swap3A_147 = tpu.vector_load %arg7[%swap3A_145, %swap3A_146] {strides = array<i32>} : memref<256x128xf32, #tpu.memory_space<vmem>>, vector<16xf32>,
      tpu.vector_store %arg7[%swap3A_145, %swap3A_146], %get3A_18 {strides = array<i32>} : memref<256x128xf32, #tpu.memory_space<vmem>>, vector<16xf32>,
      %swap3A_148 = arith.index_cast %scan3A_139 : i32 to index
      %swap3A_149 = arith.constant 48 : index
      %swap3A_150 = tpu.vector_load %arg7[%swap3A_148, %swap3A_149] {strides = array<i32>} : memref<256x128xf32, #tpu.memory_space<vmem>>, vector<16xf32>,
      tpu.vector_store %arg7[%swap3A_148, %swap3A_149], %get3A_22 {strides = array<i32>} : memref<256x128xf32, #tpu.memory_space<vmem>>, vector<16xf32>,
      %swap3A_151 = arith.index_cast %scan3A_139 : i32 to index
      %swap3A_152 = arith.constant 64 : index
      %swap3A_153 = tpu.vector_load %arg7[%swap3A_151, %swap3A_152] {strides = array<i32>} : memref<256x128xf32, #tpu.memory_space<vmem>>, vector<16xf32>,
      tpu.vector_store %arg7[%swap3A_151, %swap3A_152], %get3A_26 {strides = array<i32>} : memref<256x128xf32, #tpu.memory_space<vmem>>, vector<16xf32>,
      %swap3A_154 = arith.index_cast %scan3A_139 : i32 to index
      %swap3A_155 = arith.constant 80 : index
      %swap3A_156 = tpu.vector_load %arg7[%swap3A_154, %swap3A_155] {strides = array<i32>} : memref<256x128xf32, #tpu.memory_space<vmem>>, vector<16xf32>,
      tpu.vector_store %arg7[%swap3A_154, %swap3A_155], %get3A_30 {strides = array<i32>} : memref<256x128xf32, #tpu.memory_space<vmem>>, vector<16xf32>,
      %swap3A_157 = arith.index_cast %scan3A_139 : i32 to index
      %swap3A_158 = arith.constant 96 : index
      %swap3A_159 = tpu.vector_load %arg7[%swap3A_157, %swap3A_158] {strides = array<i32>} : memref<256x128xf32, #tpu.memory_space<vmem>>, vector<16xf32>,
      tpu.vector_store %arg7[%swap3A_157, %swap3A_158], %get3A_34 {strides = array<i32>} : memref<256x128xf32, #tpu.memory_space<vmem>>, vector<16xf32>,
      %swap3A_160 = arith.index_cast %scan3A_139 : i32 to index
      %swap3A_161 = arith.constant 112 : index
      %swap3A_162 = tpu.vector_load %arg7[%swap3A_160, %swap3A_161] {strides = array<i32>} : memref<256x128xf32, #tpu.memory_space<vmem>>, vector<16xf32>,
      tpu.vector_store %arg7[%swap3A_160, %swap3A_161], %get3A_38 {strides = array<i32>} : memref<256x128xf32, #tpu.memory_space<vmem>>, vector<16xf32>,
    }
    %scan3A_49 = arith.constant 256 : i32
    "tpu.region"() ({
      %run_scoped3A_139 = tpu.sem_alloc : memref<!tpu.dma_semaphore, #tpu.memory_space<semaphore_mem>>
      tpu.enqueue_dma source(%arg3 : memref<64x128xf32, #tpu.memory_space<hbm>>) target(%arg8 : memref<64x128xf32, #tpu.memory_space<vmem>>) target_semaphore(%run_scoped3A_139 : memref<!tpu.dma_semaphore, #tpu.memory_space<semaphore_mem>>)
      tpu.wait_dma2 semaphore(%run_scoped3A_139 : memref<!tpu.dma_semaphore, #tpu.memory_space<semaphore_mem>>) src(%arg3 : memref<64x128xf32, #tpu.memory_space<hbm>>) dst(%arg8 : memref<64x128xf32, #tpu.memory_space<vmem>>)
      tpu.yield
    }) : () -> ()
    "tpu.region"() ({
      %run_scoped3A_139 = tpu.sem_alloc : memref<!tpu.dma_semaphore, #tpu.memory_space<semaphore_mem>>
      tpu.enqueue_dma source(%arg2 : memref<8192xi32, #tpu.memory_space<hbm>>) target(%arg9 : memref<8192xi32, #tpu.memory_space<vmem>>) target_semaphore(%run_scoped3A_139 : memref<!tpu.dma_semaphore, #tpu.memory_space<semaphore_mem>>)
      tpu.wait_dma2 semaphore(%run_scoped3A_139 : memref<!tpu.dma_semaphore, #tpu.memory_space<semaphore_mem>>) src(%arg2 : memref<8192xi32, #tpu.memory_space<hbm>>) dst(%arg9 : memref<8192xi32, #tpu.memory_space<vmem>>)
      tpu.yield
    }) : () -> ()
    %scan3A_50 = arith.constant 0 : i32
    %scan3A_51 = arith.constant 0 : i32
    %scan3A_52 = arith.constant 512 : i32
    %scan3A_53 = arith.addi %scan3A_51, %scan3A_52 : i32
    %scan3A_54 = arith.constant 1 : i32
    %scan3A_55 = scf.for %scan3A_139 = %scan3A_51 to %scan3A_53 step %scan3A_54 iter_args(%scan3A_140 = %scan3A_50) -> (i32)  : i32 {
      %mul3A_141 = arith.constant 16 : i32
      %mul3A_142 = arith.muli %scan3A_139, %mul3A_141 : i32
      %get3A_143 = arith.index_cast %mul3A_142 : i32 to index
      %get3A_144 = tpu.vector_load %arg9[%get3A_143] {strides = array<i32>} : memref<8192xi32, #tpu.memory_space<vmem>>, vector<16xi32>,
      %and3A = arith.constant 262143 : i32
      %and3A_145 = vector.broadcast %and3A : i32 to vector<16xi32>
      %and3A_146 = arith.andi %get3A_144, %and3A_145 : vector<16xi32>
      %ge3A = vector.broadcast %mul3A_2 : i32 to vector<16xi32>
      %ge3A_147 = arith.cmpi sge, %and3A_146, %ge3A : vector<16xi32>
      %lt3A = vector.broadcast %add3A_4 : i32 to vector<16xi32>
      %lt3A_148 = arith.cmpi slt, %and3A_146, %lt3A : vector<16xi32>
      %and3A_149 = arith.andi %ge3A_147, %lt3A_148 : vector<16xi1>
      %convert_element_type3A = arith.extui %and3A_149 : vector<16xi1> to vector<16xi32>
      %broadcast_in_dim3A = arith.constant true
      %broadcast_in_dim3A_150 = vector.broadcast %broadcast_in_dim3A : i1 to vector<16xi1>
      %masked_cumsum3A = tpu.scan <sum>, %convert_element_type3A masked %broadcast_in_dim3A_150 : vector<16xi32>, vector<16xi1> -> vector<16xi32>
      %add3A_151 = vector.broadcast %scan3A_140 : i32 to vector<16xi32>
      %add3A_152 = arith.addi %add3A_151, %masked_cumsum3A : vector<16xi32>
      %sub3A = arith.constant 1 : i32
      %sub3A_153 = vector.broadcast %sub3A : i32 to vector<16xi32>
      %sub3A_154 = arith.subi %add3A_152, %sub3A_153 : vector<16xi32>
      %max3A = arith.constant 0 : i32
      %max3A_155 = vector.broadcast %max3A : i32 to vector<16xi32>
      %max3A_156 = arith.maxsi %sub3A_154, %max3A_155 : vector<16xi32>
      tpu.vector_store_idx %arg10[%max3A_156], %get3A_144 masked %and3A_149 : memref<8192xi32, #tpu.memory_space<vmem>>[vector<16xi32>], vector<16xi32>, vector<16xi1>
      %slice3A = vector.extract_strided_slice %masked_cumsum3A {offsets = [15], sizes = [1], strides = [1]} : vector<16xi32> to vector<1xi32>
      %squeeze3A = vector.extract %slice3A[0] : i32 from vector<1xi32>
      %add3A_157 = arith.addi %scan3A_140, %squeeze3A : i32
      scf.yield %add3A_157 : i32
    }
    %scan3A_56 = arith.constant 512 : i32
    %add3A_57 = arith.constant 15 : i32
    %add3A_58 = arith.addi %scan3A_55, %add3A_57 : i32
    %shift_right_logical3A = arith.constant 4 : i32
    %shift_right_logical3A_59 = arith.shrui %add3A_58, %shift_right_logical3A : i32
    %while3A = arith.constant 0 : i32
    %while3A_60 = arith.constant 0 : i32
    %while3A_61 = arith.subi %shift_right_logical3A_59, %while3A : i32
    %while3A_62 = arith.addi %while3A, %while3A_61 : i32
    %while3A_63 = arith.constant 1 : i32
    %while3A_64 = arith.divsi %while3A_61, %while3A_63 : i32
    %while3A_65 = arith.muli %while3A_64, %while3A_63 : i32
    %while3A_66 = arith.addi %while3A, %while3A_65 : i32
    %while3A_67 = arith.constant 1 : i32
    %while3A_68:2 = scf.for %while3A_139 = %while3A to %while3A_66 step %while3A_67 iter_args(%while3A_140 = %while3A_60, %while3A_141 = %iota3A) -> (i32, vector<16xi32>)  : i32 {
      %mul3A_142 = arith.constant 16 : i32
      %mul3A_143 = arith.muli %while3A_139, %mul3A_142 : i32
      %get3A_144 = arith.index_cast %mul3A_143 : i32 to index
      %get3A_145 = tpu.vector_load %arg10[%get3A_144] {strides = array<i32>} : memref<8192xi32, #tpu.memory_space<vmem>>, vector<16xi32>,
      %and3A = arith.constant 262143 : i32
      %and3A_146 = vector.broadcast %and3A : i32 to vector<16xi32>
      %and3A_147 = arith.andi %get3A_145, %and3A_146 : vector<16xi32>
      %sub3A = vector.broadcast %mul3A_2 : i32 to vector<16xi32>
      %sub3A_148 = arith.subi %and3A_147, %sub3A : vector<16xi32>
      %shift_right_logical3A_149 = arith.constant 8 : i32
      %shift_right_logical3A_150 = vector.broadcast %shift_right_logical3A_149 : i32 to vector<16xi32>
      %shift_right_logical3A_151 = arith.shrui %sub3A_148, %shift_right_logical3A_150 : vector<16xi32>
      %eq3A = arith.cmpi eq, %shift_right_logical3A_151, %mul3A_7 : vector<16xi32>
      %lt3A = vector.broadcast %scan3A_55 : i32 to vector<16xi32>
      %lt3A_152 = arith.cmpi slt, %while3A_141, %lt3A : vector<16xi32>
      %and3A_153 = arith.andi %eq3A, %lt3A_152 : vector<16xi1>
      %convert_element_type3A = arith.extui %and3A_153 : vector<16xi1> to vector<16xi32>
      %broadcast_in_dim3A = arith.constant true
      %broadcast_in_dim3A_154 = vector.broadcast %broadcast_in_dim3A : i1 to vector<16xi1>
      %masked_cumsum3A = tpu.scan <sum>, %convert_element_type3A masked %broadcast_in_dim3A_154 : vector<16xi32>, vector<16xi1> -> vector<16xi32>
      %add3A_155 = vector.broadcast %while3A_140 : i32 to vector<16xi32>
      %add3A_156 = arith.addi %add3A_155, %masked_cumsum3A : vector<16xi32>
      %sub3A_157 = arith.constant 1 : i32
      %sub3A_158 = vector.broadcast %sub3A_157 : i32 to vector<16xi32>
      %sub3A_159 = arith.subi %add3A_156, %sub3A_158 : vector<16xi32>
      %max3A = arith.constant 0 : i32
      %max3A_160 = vector.broadcast %max3A : i32 to vector<16xi32>
      %max3A_161 = arith.maxsi %sub3A_159, %max3A_160 : vector<16xi32>
      tpu.vector_store_idx %arg11[%max3A_161], %get3A_145 masked %and3A_153 : memref<8192xi32, #tpu.memory_space<vmem>>[vector<16xi32>], vector<16xi32>, vector<16xi1>
      %slice3A = vector.extract_strided_slice %masked_cumsum3A {offsets = [15], sizes = [1], strides = [1]} : vector<16xi32> to vector<1xi32>
      %squeeze3A = vector.extract %slice3A[0] : i32 from vector<1xi32>
      %add3A_162 = arith.addi %while3A_140, %squeeze3A : i32
      %add3A_163 = arith.constant 16 : i32
      %add3A_164 = vector.broadcast %add3A_163 : i32 to vector<16xi32>
      %add3A_165 = arith.addi %while3A_141, %add3A_164 : vector<16xi32>
      scf.yield %add3A_162, %add3A_165 : i32, vector<16xi32>
    }
    %while3A_69 = arith.constant 1 : i32
    %while3A_70:2 = scf.for %while3A_139 = %while3A_66 to %while3A_62 step %while3A_69 iter_args(%while3A_140 = %while3A_68#0, %while3A_141 = %while3A_68#1) -> (i32, vector<16xi32>)  : i32 {
      %mul3A_142 = arith.constant 16 : i32
      %mul3A_143 = arith.muli %while3A_139, %mul3A_142 : i32
      %get3A_144 = arith.index_cast %mul3A_143 : i32 to index
      %get3A_145 = tpu.vector_load %arg10[%get3A_144] {strides = array<i32>} : memref<8192xi32, #tpu.memory_space<vmem>>, vector<16xi32>,
      %and3A = arith.constant 262143 : i32
      %and3A_146 = vector.broadcast %and3A : i32 to vector<16xi32>
      %and3A_147 = arith.andi %get3A_145, %and3A_146 : vector<16xi32>
      %sub3A = vector.broadcast %mul3A_2 : i32 to vector<16xi32>
      %sub3A_148 = arith.subi %and3A_147, %sub3A : vector<16xi32>
      %shift_right_logical3A_149 = arith.constant 8 : i32
      %shift_right_logical3A_150 = vector.broadcast %shift_right_logical3A_149 : i32 to vector<16xi32>
      %shift_right_logical3A_151 = arith.shrui %sub3A_148, %shift_right_logical3A_150 : vector<16xi32>
      %eq3A = arith.cmpi eq, %shift_right_logical3A_151, %mul3A_7 : vector<16xi32>
      %lt3A = vector.broadcast %scan3A_55 : i32 to vector<16xi32>
      %lt3A_152 = arith.cmpi slt, %while3A_141, %lt3A : vector<16xi32>
      %and3A_153 = arith.andi %eq3A, %lt3A_152 : vector<16xi1>
      %convert_element_type3A = arith.extui %and3A_153 : vector<16xi1> to vector<16xi32>
      %broadcast_in_dim3A = arith.constant true
      %broadcast_in_dim3A_154 = vector.broadcast %broadcast_in_dim3A : i1 to vector<16xi1>
      %masked_cumsum3A = tpu.scan <sum>, %convert_element_type3A masked %broadcast_in_dim3A_154 : vector<16xi32>, vector<16xi1> -> vector<16xi32>
      %add3A_155 = vector.broadcast %while3A_140 : i32 to vector<16xi32>
      %add3A_156 = arith.addi %add3A_155, %masked_cumsum3A : vector<16xi32>
      %sub3A_157 = arith.constant 1 : i32
      %sub3A_158 = vector.broadcast %sub3A_157 : i32 to vector<16xi32>
      %sub3A_159 = arith.subi %add3A_156, %sub3A_158 : vector<16xi32>
      %max3A = arith.constant 0 : i32
      %max3A_160 = vector.broadcast %max3A : i32 to vector<16xi32>
      %max3A_161 = arith.maxsi %sub3A_159, %max3A_160 : vector<16xi32>
      tpu.vector_store_idx %arg11[%max3A_161], %get3A_145 masked %and3A_153 : memref<8192xi32, #tpu.memory_space<vmem>>[vector<16xi32>], vector<16xi32>, vector<16xi1>
      %slice3A = vector.extract_strided_slice %masked_cumsum3A {offsets = [15], sizes = [1], strides = [1]} : vector<16xi32> to vector<1xi32>
      %squeeze3A = vector.extract %slice3A[0] : i32 from vector<1xi32>
      %add3A_162 = arith.addi %while3A_140, %squeeze3A : i32
      %add3A_163 = arith.constant 16 : i32
      %add3A_164 = vector.broadcast %add3A_163 : i32 to vector<16xi32>
      %add3A_165 = arith.addi %while3A_141, %add3A_164 : vector<16xi32>
      scf.yield %add3A_162, %add3A_165 : i32, vector<16xi32>
    }
    %while3A_71 = arith.constant 0 : i32
    %while3A_72 = arith.subi %while3A_70#0, %while3A_71 : i32
    %while3A_73 = arith.addi %while3A_71, %while3A_72 : i32
    %while3A_74 = arith.constant 1 : i32
    %while3A_75 = arith.divsi %while3A_72, %while3A_74 : i32
    %while3A_76 = arith.muli %while3A_75, %while3A_74 : i32
    %while3A_77 = arith.addi %while3A_71, %while3A_76 : i32
    %while3A_78 = arith.constant 1 : i32
    %while3A_79 = scf.for %while3A_139 = %while3A_71 to %while3A_77 step %while3A_78 iter_args(%while3A_140 = %mul3A_7) -> (vector<16xi32>)  : i32 {
      %gather3A = tpu.vector_load_idx %arg11[%while3A_140] : memref<8192xi32, #tpu.memory_space<vmem>>[vector<16xi32>], vector<16xi32>,
      %slice3A = vector.extract_strided_slice %gather3A {offsets = [0], sizes = [1], strides = [1]} : vector<16xi32> to vector<1xi32>
      %squeeze3A = vector.extract %slice3A[0] : i32 from vector<1xi32>
      %and3A = arith.constant 255 : i32
      %and3A_141 = arith.andi %squeeze3A, %and3A : i32
      %shift_right_logical3A_142 = arith.constant 18 : i32
      %shift_right_logical3A_143 = arith.shrui %squeeze3A, %shift_right_logical3A_142 : i32
      %get3A_144 = arith.index_cast %shift_right_logical3A_143 : i32 to index
      %get3A_145 = arith.constant 0 : index
      %get3A_146 = tpu.vector_load %arg8[%get3A_144, %get3A_145] {strides = array<i32>} : memref<64x128xf32, #tpu.memory_space<vmem>>, vector<16xf32>,
      %swap3A = arith.index_cast %and3A_141 : i32 to index
      %swap3A_147 = arith.constant 0 : index
      %swap3A_148 = tpu.vector_load %arg6[%swap3A, %swap3A_147] {strides = array<i32>} : memref<256x128xf32, #tpu.memory_space<vmem>>, vector<16xf32>,
      tpu.vector_store %arg6[%swap3A, %swap3A_147], %get3A_146 {strides = array<i32>} : memref<256x128xf32, #tpu.memory_space<vmem>>, vector<16xf32>,
      %get3A_149 = arith.index_cast %shift_right_logical3A_143 : i32 to index
      %get3A_150 = arith.constant 16 : index
      %get3A_151 = tpu.vector_load %arg8[%get3A_149, %get3A_150] {strides = array<i32>} : memref<64x128xf32, #tpu.memory_space<vmem>>, vector<16xf32>,
      %swap3A_152 = arith.index_cast %and3A_141 : i32 to index
      %swap3A_153 = arith.constant 16 : index
      %swap3A_154 = tpu.vector_load %arg6[%swap3A_152, %swap3A_153] {strides = array<i32>} : memref<256x128xf32, #tpu.memory_space<vmem>>, vector<16xf32>,
      tpu.vector_store %arg6[%swap3A_152, %swap3A_153], %get3A_151 {strides = array<i32>} : memref<256x128xf32, #tpu.memory_space<vmem>>, vector<16xf32>,
      %get3A_155 = arith.index_cast %shift_right_logical3A_143 : i32 to index
      %get3A_156 = arith.constant 32 : index
      %get3A_157 = tpu.vector_load %arg8[%get3A_155, %get3A_156] {strides = array<i32>} : memref<64x128xf32, #tpu.memory_space<vmem>>, vector<16xf32>,
      %swap3A_158 = arith.index_cast %and3A_141 : i32 to index
      %swap3A_159 = arith.constant 32 : index
      %swap3A_160 = tpu.vector_load %arg6[%swap3A_158, %swap3A_159] {strides = array<i32>} : memref<256x128xf32, #tpu.memory_space<vmem>>, vector<16xf32>,
      tpu.vector_store %arg6[%swap3A_158, %swap3A_159], %get3A_157 {strides = array<i32>} : memref<256x128xf32, #tpu.memory_space<vmem>>, vector<16xf32>,
      %get3A_161 = arith.index_cast %shift_right_logical3A_143 : i32 to index
      %get3A_162 = arith.constant 48 : index
      %get3A_163 = tpu.vector_load %arg8[%get3A_161, %get3A_162] {strides = array<i32>} : memref<64x128xf32, #tpu.memory_space<vmem>>, vector<16xf32>,
      %swap3A_164 = arith.index_cast %and3A_141 : i32 to index
      %swap3A_165 = arith.constant 48 : index
      %swap3A_166 = tpu.vector_load %arg6[%swap3A_164, %swap3A_165] {strides = array<i32>} : memref<256x128xf32, #tpu.memory_space<vmem>>, vector<16xf32>,
      tpu.vector_store %arg6[%swap3A_164, %swap3A_165], %get3A_163 {strides = array<i32>} : memref<256x128xf32, #tpu.memory_space<vmem>>, vector<16xf32>,
      %get3A_167 = arith.index_cast %shift_right_logical3A_143 : i32 to index
      %get3A_168 = arith.constant 64 : index
      %get3A_169 = tpu.vector_load %arg8[%get3A_167, %get3A_168] {strides = array<i32>} : memref<64x128xf32, #tpu.memory_space<vmem>>, vector<16xf32>,
      %swap3A_170 = arith.index_cast %and3A_141 : i32 to index
      %swap3A_171 = arith.constant 64 : index
      %swap3A_172 = tpu.vector_load %arg6[%swap3A_170, %swap3A_171] {strides = array<i32>} : memref<256x128xf32, #tpu.memory_space<vmem>>, vector<16xf32>,
      tpu.vector_store %arg6[%swap3A_170, %swap3A_171], %get3A_169 {strides = array<i32>} : memref<256x128xf32, #tpu.memory_space<vmem>>, vector<16xf32>,
      %get3A_173 = arith.index_cast %shift_right_logical3A_143 : i32 to index
      %get3A_174 = arith.constant 80 : index
      %get3A_175 = tpu.vector_load %arg8[%get3A_173, %get3A_174] {strides = array<i32>} : memref<64x128xf32, #tpu.memory_space<vmem>>, vector<16xf32>,
      %swap3A_176 = arith.index_cast %and3A_141 : i32 to index
      %swap3A_177 = arith.constant 80 : index
      %swap3A_178 = tpu.vector_load %arg6[%swap3A_176, %swap3A_177] {strides = array<i32>} : memref<256x128xf32, #tpu.memory_space<vmem>>, vector<16xf32>,
      tpu.vector_store %arg6[%swap3A_176, %swap3A_177], %get3A_175 {strides = array<i32>} : memref<256x128xf32, #tpu.memory_space<vmem>>, vector<16xf32>,
      %get3A_179 = arith.index_cast %shift_right_logical3A_143 : i32 to index
      %get3A_180 = arith.constant 96 : index
      %get3A_181 = tpu.vector_load %arg8[%get3A_179, %get3A_180] {strides = array<i32>} : memref<64x128xf32, #tpu.memory_space<vmem>>, vector<16xf32>,
      %swap3A_182 = arith.index_cast %and3A_141 : i32 to index
      %swap3A_183 = arith.constant 96 : index
      %swap3A_184 = tpu.vector_load %arg6[%swap3A_182, %swap3A_183] {strides = array<i32>} : memref<256x128xf32, #tpu.memory_space<vmem>>, vector<16xf32>,
      tpu.vector_store %arg6[%swap3A_182, %swap3A_183], %get3A_181 {strides = array<i32>} : memref<256x128xf32, #tpu.memory_space<vmem>>, vector<16xf32>,
      %get3A_185 = arith.index_cast %shift_right_logical3A_143 : i32 to index
      %get3A_186 = arith.constant 112 : index
      %get3A_187 = tpu.vector_load %arg8[%get3A_185, %get3A_186] {strides = array<i32>} : memref<64x128xf32, #tpu.memory_space<vmem>>, vector<16xf32>,
      %swap3A_188 = arith.index_cast %and3A_141 : i32 to index
      %swap3A_189 = arith.constant 112 : index
      %swap3A_190 = tpu.vector_load %arg6[%swap3A_188, %swap3A_189] {strides = array<i32>} : memref<256x128xf32, #tpu.memory_space<vmem>>, vector<16xf32>,
      tpu.vector_store %arg6[%swap3A_188, %swap3A_189], %get3A_187 {strides = array<i32>} : memref<256x128xf32, #tpu.memory_space<vmem>>, vector<16xf32>,
      %add3A_191 = arith.constant 1 : i32
      %add3A_192 = vector.broadcast %add3A_191 : i32 to vector<16xi32>
      %add3A_193 = arith.addi %while3A_140, %add3A_192 : vector<16xi32>
      scf.yield %add3A_193 : vector<16xi32>
    }
    %while3A_80 = arith.constant 1 : i32
    %while3A_81 = scf.for %while3A_139 = %while3A_77 to %while3A_73 step %while3A_80 iter_args(%while3A_140 = %while3A_79) -> (vector<16xi32>)  : i32 {
      %gather3A = tpu.vector_load_idx %arg11[%while3A_140] : memref<8192xi32, #tpu.memory_space<vmem>>[vector<16xi32>], vector<16xi32>,
      %slice3A = vector.extract_strided_slice %gather3A {offsets = [0], sizes = [1], strides = [1]} : vector<16xi32> to vector<1xi32>
      %squeeze3A = vector.extract %slice3A[0] : i32 from vector<1xi32>
      %and3A = arith.constant 255 : i32
      %and3A_141 = arith.andi %squeeze3A, %and3A : i32
      %shift_right_logical3A_142 = arith.constant 18 : i32
      %shift_right_logical3A_143 = arith.shrui %squeeze3A, %shift_right_logical3A_142 : i32
      %get3A_144 = arith.index_cast %shift_right_logical3A_143 : i32 to index
      %get3A_145 = arith.constant 0 : index
      %get3A_146 = tpu.vector_load %arg8[%get3A_144, %get3A_145] {strides = array<i32>} : memref<64x128xf32, #tpu.memory_space<vmem>>, vector<16xf32>,
      %swap3A = arith.index_cast %and3A_141 : i32 to index
      %swap3A_147 = arith.constant 0 : index
      %swap3A_148 = tpu.vector_load %arg6[%swap3A, %swap3A_147] {strides = array<i32>} : memref<256x128xf32, #tpu.memory_space<vmem>>, vector<16xf32>,
      tpu.vector_store %arg6[%swap3A, %swap3A_147], %get3A_146 {strides = array<i32>} : memref<256x128xf32, #tpu.memory_space<vmem>>, vector<16xf32>,
      %get3A_149 = arith.index_cast %shift_right_logical3A_143 : i32 to index
      %get3A_150 = arith.constant 16 : index
      %get3A_151 = tpu.vector_load %arg8[%get3A_149, %get3A_150] {strides = array<i32>} : memref<64x128xf32, #tpu.memory_space<vmem>>, vector<16xf32>,
      %swap3A_152 = arith.index_cast %and3A_141 : i32 to index
      %swap3A_153 = arith.constant 16 : index
      %swap3A_154 = tpu.vector_load %arg6[%swap3A_152, %swap3A_153] {strides = array<i32>} : memref<256x128xf32, #tpu.memory_space<vmem>>, vector<16xf32>,
      tpu.vector_store %arg6[%swap3A_152, %swap3A_153], %get3A_151 {strides = array<i32>} : memref<256x128xf32, #tpu.memory_space<vmem>>, vector<16xf32>,
      %get3A_155 = arith.index_cast %shift_right_logical3A_143 : i32 to index
      %get3A_156 = arith.constant 32 : index
      %get3A_157 = tpu.vector_load %arg8[%get3A_155, %get3A_156] {strides = array<i32>} : memref<64x128xf32, #tpu.memory_space<vmem>>, vector<16xf32>,
      %swap3A_158 = arith.index_cast %and3A_141 : i32 to index
      %swap3A_159 = arith.constant 32 : index
      %swap3A_160 = tpu.vector_load %arg6[%swap3A_158, %swap3A_159] {strides = array<i32>} : memref<256x128xf32, #tpu.memory_space<vmem>>, vector<16xf32>,
      tpu.vector_store %arg6[%swap3A_158, %swap3A_159], %get3A_157 {strides = array<i32>} : memref<256x128xf32, #tpu.memory_space<vmem>>, vector<16xf32>,
      %get3A_161 = arith.index_cast %shift_right_logical3A_143 : i32 to index
      %get3A_162 = arith.constant 48 : index
      %get3A_163 = tpu.vector_load %arg8[%get3A_161, %get3A_162] {strides = array<i32>} : memref<64x128xf32, #tpu.memory_space<vmem>>, vector<16xf32>,
      %swap3A_164 = arith.index_cast %and3A_141 : i32 to index
      %swap3A_165 = arith.constant 48 : index
      %swap3A_166 = tpu.vector_load %arg6[%swap3A_164, %swap3A_165] {strides = array<i32>} : memref<256x128xf32, #tpu.memory_space<vmem>>, vector<16xf32>,
      tpu.vector_store %arg6[%swap3A_164, %swap3A_165], %get3A_163 {strides = array<i32>} : memref<256x128xf32, #tpu.memory_space<vmem>>, vector<16xf32>,
      %get3A_167 = arith.index_cast %shift_right_logical3A_143 : i32 to index
      %get3A_168 = arith.constant 64 : index
      %get3A_169 = tpu.vector_load %arg8[%get3A_167, %get3A_168] {strides = array<i32>} : memref<64x128xf32, #tpu.memory_space<vmem>>, vector<16xf32>,
      %swap3A_170 = arith.index_cast %and3A_141 : i32 to index
      %swap3A_171 = arith.constant 64 : index
      %swap3A_172 = tpu.vector_load %arg6[%swap3A_170, %swap3A_171] {strides = array<i32>} : memref<256x128xf32, #tpu.memory_space<vmem>>, vector<16xf32>,
      tpu.vector_store %arg6[%swap3A_170, %swap3A_171], %get3A_169 {strides = array<i32>} : memref<256x128xf32, #tpu.memory_space<vmem>>, vector<16xf32>,
      %get3A_173 = arith.index_cast %shift_right_logical3A_143 : i32 to index
      %get3A_174 = arith.constant 80 : index
      %get3A_175 = tpu.vector_load %arg8[%get3A_173, %get3A_174] {strides = array<i32>} : memref<64x128xf32, #tpu.memory_space<vmem>>, vector<16xf32>,
      %swap3A_176 = arith.index_cast %and3A_141 : i32 to index
      %swap3A_177 = arith.constant 80 : index
      %swap3A_178 = tpu.vector_load %arg6[%swap3A_176, %swap3A_177] {strides = array<i32>} : memref<256x128xf32, #tpu.memory_space<vmem>>, vector<16xf32>,
      tpu.vector_store %arg6[%swap3A_176, %swap3A_177], %get3A_175 {strides = array<i32>} : memref<256x128xf32, #tpu.memory_space<vmem>>, vector<16xf32>,
      %get3A_179 = arith.index_cast %shift_right_logical3A_143 : i32 to index
      %get3A_180 = arith.constant 96 : index
      %get3A_181 = tpu.vector_load %arg8[%get3A_179, %get3A_180] {strides = array<i32>} : memref<64x128xf32, #tpu.memory_space<vmem>>, vector<16xf32>,
      %swap3A_182 = arith.index_cast %and3A_141 : i32 to index
      %swap3A_183 = arith.constant 96 : index
      %swap3A_184 = tpu.vector_load %arg6[%swap3A_182, %swap3A_183] {strides = array<i32>} : memref<256x128xf32, #tpu.memory_space<vmem>>, vector<16xf32>,
      tpu.vector_store %arg6[%swap3A_182, %swap3A_183], %get3A_181 {strides = array<i32>} : memref<256x128xf32, #tpu.memory_space<vmem>>, vector<16xf32>,
      %get3A_185 = arith.index_cast %shift_right_logical3A_143 : i32 to index
      %get3A_186 = arith.constant 112 : index
      %get3A_187 = tpu.vector_load %arg8[%get3A_185, %get3A_186] {strides = array<i32>} : memref<64x128xf32, #tpu.memory_space<vmem>>, vector<16xf32>,
      %swap3A_188 = arith.index_cast %and3A_141 : i32 to index
      %swap3A_189 = arith.constant 112 : index
      %swap3A_190 = tpu.vector_load %arg6[%swap3A_188, %swap3A_189] {strides = array<i32>} : memref<256x128xf32, #tpu.memory_space<vmem>>, vector<16xf32>,
      tpu.vector_store %arg6[%swap3A_188, %swap3A_189], %get3A_187 {strides = array<i32>} : memref<256x128xf32, #tpu.memory_space<vmem>>, vector<16xf32>,
      %add3A_191 = arith.constant 1 : i32
      %add3A_192 = vector.broadcast %add3A_191 : i32 to vector<16xi32>
      %add3A_193 = arith.addi %while3A_140, %add3A_192 : vector<16xi32>
      scf.yield %add3A_193 : vector<16xi32>
    }
    %mul3A_82 = arith.constant 0 : i32
    %mul3A_83 = arith.constant 256 : i32
    %mul3A_84 = arith.muli %mul3A_82, %mul3A_83 : i32
    %add3A_85 = arith.addi %mul3A_2, %mul3A_84 : i32
    %dma_start3A = arith.constant 0 : i32
    %dma_start3A_86 = tpu.memref_slice %arg5[%add3A_85, %dma_start3A] : memref<262144x128xf32, #tpu.memory_space<hbm>> -> memref<256x128xf32, #tpu.memory_space<hbm>>
    %dma_start3A_87 = arith.constant 0 : i32
    %dma_start3A_88 = tpu.memref_slice %arg5[%add3A_85, %dma_start3A_87] : memref<262144x128xf32, #tpu.memory_space<hbm>> -> memref<256x128xf32, #tpu.memory_space<hbm>>
    tpu.enqueue_dma source(%arg6 : memref<256x128xf32, #tpu.memory_space<vmem>>) target(%dma_start3A_88 : memref<256x128xf32, #tpu.memory_space<hbm>>) target_semaphore(%arg13 : memref<!tpu.dma_semaphore, #tpu.memory_space<semaphore_mem>>)
    %add3A_89 = arith.constant 1 : i32
    %add3A_90 = vector.broadcast %add3A_89 : i32 to vector<16xi32>
    %add3A_91 = arith.addi %mul3A_7, %add3A_90 : vector<16xi32>
    %while3A_92 = arith.constant 0 : i32
    %while3A_93 = arith.constant 0 : i32
    %while3A_94 = arith.subi %shift_right_logical3A_59, %while3A_92 : i32
    %while3A_95 = arith.addi %while3A_92, %while3A_94 : i32
    %while3A_96 = arith.constant 1 : i32
    %while3A_97 = arith.divsi %while3A_94, %while3A_96 : i32
    %while3A_98 = arith.muli %while3A_97, %while3A_96 : i32
    %while3A_99 = arith.addi %while3A_92, %while3A_98 : i32
    %while3A_100 = arith.constant 1 : i32
    %while3A_101:2 = scf.for %while3A_139 = %while3A_92 to %while3A_99 step %while3A_100 iter_args(%while3A_140 = %while3A_93, %while3A_141 = %iota3A) -> (i32, vector<16xi32>)  : i32 {
      %mul3A_142 = arith.constant 16 : i32
      %mul3A_143 = arith.muli %while3A_139, %mul3A_142 : i32
      %get3A_144 = arith.index_cast %mul3A_143 : i32 to index
      %get3A_145 = tpu.vector_load %arg10[%get3A_144] {strides = array<i32>} : memref<8192xi32, #tpu.memory_space<vmem>>, vector<16xi32>,
      %and3A = arith.constant 262143 : i32
      %and3A_146 = vector.broadcast %and3A : i32 to vector<16xi32>
      %and3A_147 = arith.andi %get3A_145, %and3A_146 : vector<16xi32>
      %sub3A = vector.broadcast %mul3A_2 : i32 to vector<16xi32>
      %sub3A_148 = arith.subi %and3A_147, %sub3A : vector<16xi32>
      %shift_right_logical3A_149 = arith.constant 8 : i32
      %shift_right_logical3A_150 = vector.broadcast %shift_right_logical3A_149 : i32 to vector<16xi32>
      %shift_right_logical3A_151 = arith.shrui %sub3A_148, %shift_right_logical3A_150 : vector<16xi32>
      %eq3A = arith.cmpi eq, %shift_right_logical3A_151, %add3A_91 : vector<16xi32>
      %lt3A = vector.broadcast %scan3A_55 : i32 to vector<16xi32>
      %lt3A_152 = arith.cmpi slt, %while3A_141, %lt3A : vector<16xi32>
      %and3A_153 = arith.andi %eq3A, %lt3A_152 : vector<16xi1>
      %convert_element_type3A = arith.extui %and3A_153 : vector<16xi1> to vector<16xi32>
      %broadcast_in_dim3A = arith.constant true
      %broadcast_in_dim3A_154 = vector.broadcast %broadcast_in_dim3A : i1 to vector<16xi1>
      %masked_cumsum3A = tpu.scan <sum>, %convert_element_type3A masked %broadcast_in_dim3A_154 : vector<16xi32>, vector<16xi1> -> vector<16xi32>
      %add3A_155 = vector.broadcast %while3A_140 : i32 to vector<16xi32>
      %add3A_156 = arith.addi %add3A_155, %masked_cumsum3A : vector<16xi32>
      %sub3A_157 = arith.constant 1 : i32
      %sub3A_158 = vector.broadcast %sub3A_157 : i32 to vector<16xi32>
      %sub3A_159 = arith.subi %add3A_156, %sub3A_158 : vector<16xi32>
      %max3A = arith.constant 0 : i32
      %max3A_160 = vector.broadcast %max3A : i32 to vector<16xi32>
      %max3A_161 = arith.maxsi %sub3A_159, %max3A_160 : vector<16xi32>
      tpu.vector_store_idx %arg12[%max3A_161], %get3A_145 masked %and3A_153 : memref<8192xi32, #tpu.memory_space<vmem>>[vector<16xi32>], vector<16xi32>, vector<16xi1>
      %slice3A = vector.extract_strided_slice %masked_cumsum3A {offsets = [15], sizes = [1], strides = [1]} : vector<16xi32> to vector<1xi32>
      %squeeze3A = vector.extract %slice3A[0] : i32 from vector<1xi32>
      %add3A_162 = arith.addi %while3A_140, %squeeze3A : i32
      %add3A_163 = arith.constant 16 : i32
      %add3A_164 = vector.broadcast %add3A_163 : i32 to vector<16xi32>
      %add3A_165 = arith.addi %while3A_141, %add3A_164 : vector<16xi32>
      scf.yield %add3A_162, %add3A_165 : i32, vector<16xi32>
    }
    %while3A_102 = arith.constant 1 : i32
    %while3A_103:2 = scf.for %while3A_139 = %while3A_99 to %while3A_95 step %while3A_102 iter_args(%while3A_140 = %while3A_101#0, %while3A_141 = %while3A_101#1) -> (i32, vector<16xi32>)  : i32 {
      %mul3A_142 = arith.constant 16 : i32
      %mul3A_143 = arith.muli %while3A_139, %mul3A_142 : i32
      %get3A_144 = arith.index_cast %mul3A_143 : i32 to index
      %get3A_145 = tpu.vector_load %arg10[%get3A_144] {strides = array<i32>} : memref<8192xi32, #tpu.memory_space<vmem>>, vector<16xi32>,
      %and3A = arith.constant 262143 : i32
      %and3A_146 = vector.broadcast %and3A : i32 to vector<16xi32>
      %and3A_147 = arith.andi %get3A_145, %and3A_146 : vector<16xi32>
      %sub3A = vector.broadcast %mul3A_2 : i32 to vector<16xi32>
      %sub3A_148 = arith.subi %and3A_147, %sub3A : vector<16xi32>
      %shift_right_logical3A_149 = arith.constant 8 : i32
      %shift_right_logical3A_150 = vector.broadcast %shift_right_logical3A_149 : i32 to vector<16xi32>
      %shift_right_logical3A_151 = arith.shrui %sub3A_148, %shift_right_logical3A_150 : vector<16xi32>
      %eq3A = arith.cmpi eq, %shift_right_logical3A_151, %add3A_91 : vector<16xi32>
      %lt3A = vector.broadcast %scan3A_55 : i32 to vector<16xi32>
      %lt3A_152 = arith.cmpi slt, %while3A_141, %lt3A : vector<16xi32>
      %and3A_153 = arith.andi %eq3A, %lt3A_152 : vector<16xi1>
      %convert_element_type3A = arith.extui %and3A_153 : vector<16xi1> to vector<16xi32>
      %broadcast_in_dim3A = arith.constant true
      %broadcast_in_dim3A_154 = vector.broadcast %broadcast_in_dim3A : i1 to vector<16xi1>
      %masked_cumsum3A = tpu.scan <sum>, %convert_element_type3A masked %broadcast_in_dim3A_154 : vector<16xi32>, vector<16xi1> -> vector<16xi32>
      %add3A_155 = vector.broadcast %while3A_140 : i32 to vector<16xi32>
      %add3A_156 = arith.addi %add3A_155, %masked_cumsum3A : vector<16xi32>
      %sub3A_157 = arith.constant 1 : i32
      %sub3A_158 = vector.broadcast %sub3A_157 : i32 to vector<16xi32>
      %sub3A_159 = arith.subi %add3A_156, %sub3A_158 : vector<16xi32>
      %max3A = arith.constant 0 : i32
      %max3A_160 = vector.broadcast %max3A : i32 to vector<16xi32>
      %max3A_161 = arith.maxsi %sub3A_159, %max3A_160 : vector<16xi32>
      tpu.vector_store_idx %arg12[%max3A_161], %get3A_145 masked %and3A_153 : memref<8192xi32, #tpu.memory_space<vmem>>[vector<16xi32>], vector<16xi32>, vector<16xi1>
      %slice3A = vector.extract_strided_slice %masked_cumsum3A {offsets = [15], sizes = [1], strides = [1]} : vector<16xi32> to vector<1xi32>
      %squeeze3A = vector.extract %slice3A[0] : i32 from vector<1xi32>
      %add3A_162 = arith.addi %while3A_140, %squeeze3A : i32
      %add3A_163 = arith.constant 16 : i32
      %add3A_164 = vector.broadcast %add3A_163 : i32 to vector<16xi32>
      %add3A_165 = arith.addi %while3A_141, %add3A_164 : vector<16xi32>
      scf.yield %add3A_162, %add3A_165 : i32, vector<16xi32>
    }
    %while3A_104 = arith.constant 0 : i32
    %while3A_105 = arith.subi %while3A_103#0, %while3A_104 : i32
    %while3A_106 = arith.addi %while3A_104, %while3A_105 : i32
    %while3A_107 = arith.constant 1 : i32
    %while3A_108 = arith.divsi %while3A_105, %while3A_107 : i32
    %while3A_109 = arith.muli %while3A_108, %while3A_107 : i32
    %while3A_110 = arith.addi %while3A_104, %while3A_109 : i32
    %while3A_111 = arith.constant 1 : i32
    %while3A_112 = scf.for %while3A_139 = %while3A_104 to %while3A_110 step %while3A_111 iter_args(%while3A_140 = %mul3A_7) -> (vector<16xi32>)  : i32 {
      %gather3A = tpu.vector_load_idx %arg12[%while3A_140] : memref<8192xi32, #tpu.memory_space<vmem>>[vector<16xi32>], vector<16xi32>,
      %slice3A = vector.extract_strided_slice %gather3A {offsets = [0], sizes = [1], strides = [1]} : vector<16xi32> to vector<1xi32>
      %squeeze3A = vector.extract %slice3A[0] : i32 from vector<1xi32>
      %and3A = arith.constant 255 : i32
      %and3A_141 = arith.andi %squeeze3A, %and3A : i32
      %shift_right_logical3A_142 = arith.constant 18 : i32
      %shift_right_logical3A_143 = arith.shrui %squeeze3A, %shift_right_logical3A_142 : i32
      %get3A_144 = arith.index_cast %shift_right_logical3A_143 : i32 to index
      %get3A_145 = arith.constant 0 : index
      %get3A_146 = tpu.vector_load %arg8[%get3A_144, %get3A_145] {strides = array<i32>} : memref<64x128xf32, #tpu.memory_space<vmem>>, vector<16xf32>,
      %swap3A = arith.index_cast %and3A_141 : i32 to index
      %swap3A_147 = arith.constant 0 : index
      %swap3A_148 = tpu.vector_load %arg7[%swap3A, %swap3A_147] {strides = array<i32>} : memref<256x128xf32, #tpu.memory_space<vmem>>, vector<16xf32>,
      tpu.vector_store %arg7[%swap3A, %swap3A_147], %get3A_146 {strides = array<i32>} : memref<256x128xf32, #tpu.memory_space<vmem>>, vector<16xf32>,
      %get3A_149 = arith.index_cast %shift_right_logical3A_143 : i32 to index
      %get3A_150 = arith.constant 16 : index
      %get3A_151 = tpu.vector_load %arg8[%get3A_149, %get3A_150] {strides = array<i32>} : memref<64x128xf32, #tpu.memory_space<vmem>>, vector<16xf32>,
      %swap3A_152 = arith.index_cast %and3A_141 : i32 to index
      %swap3A_153 = arith.constant 16 : index
      %swap3A_154 = tpu.vector_load %arg7[%swap3A_152, %swap3A_153] {strides = array<i32>} : memref<256x128xf32, #tpu.memory_space<vmem>>, vector<16xf32>,
      tpu.vector_store %arg7[%swap3A_152, %swap3A_153], %get3A_151 {strides = array<i32>} : memref<256x128xf32, #tpu.memory_space<vmem>>, vector<16xf32>,
      %get3A_155 = arith.index_cast %shift_right_logical3A_143 : i32 to index
      %get3A_156 = arith.constant 32 : index
      %get3A_157 = tpu.vector_load %arg8[%get3A_155, %get3A_156] {strides = array<i32>} : memref<64x128xf32, #tpu.memory_space<vmem>>, vector<16xf32>,
      %swap3A_158 = arith.index_cast %and3A_141 : i32 to index
      %swap3A_159 = arith.constant 32 : index
      %swap3A_160 = tpu.vector_load %arg7[%swap3A_158, %swap3A_159] {strides = array<i32>} : memref<256x128xf32, #tpu.memory_space<vmem>>, vector<16xf32>,
      tpu.vector_store %arg7[%swap3A_158, %swap3A_159], %get3A_157 {strides = array<i32>} : memref<256x128xf32, #tpu.memory_space<vmem>>, vector<16xf32>,
      %get3A_161 = arith.index_cast %shift_right_logical3A_143 : i32 to index
      %get3A_162 = arith.constant 48 : index
      %get3A_163 = tpu.vector_load %arg8[%get3A_161, %get3A_162] {strides = array<i32>} : memref<64x128xf32, #tpu.memory_space<vmem>>, vector<16xf32>,
      %swap3A_164 = arith.index_cast %and3A_141 : i32 to index
      %swap3A_165 = arith.constant 48 : index
      %swap3A_166 = tpu.vector_load %arg7[%swap3A_164, %swap3A_165] {strides = array<i32>} : memref<256x128xf32, #tpu.memory_space<vmem>>, vector<16xf32>,
      tpu.vector_store %arg7[%swap3A_164, %swap3A_165], %get3A_163 {strides = array<i32>} : memref<256x128xf32, #tpu.memory_space<vmem>>, vector<16xf32>,
      %get3A_167 = arith.index_cast %shift_right_logical3A_143 : i32 to index
      %get3A_168 = arith.constant 64 : index
      %get3A_169 = tpu.vector_load %arg8[%get3A_167, %get3A_168] {strides = array<i32>} : memref<64x128xf32, #tpu.memory_space<vmem>>, vector<16xf32>,
      %swap3A_170 = arith.index_cast %and3A_141 : i32 to index
      %swap3A_171 = arith.constant 64 : index
      %swap3A_172 = tpu.vector_load %arg7[%swap3A_170, %swap3A_171] {strides = array<i32>} : memref<256x128xf32, #tpu.memory_space<vmem>>, vector<16xf32>,
      tpu.vector_store %arg7[%swap3A_170, %swap3A_171], %get3A_169 {strides = array<i32>} : memref<256x128xf32, #tpu.memory_space<vmem>>, vector<16xf32>,
      %get3A_173 = arith.index_cast %shift_right_logical3A_143 : i32 to index
      %get3A_174 = arith.constant 80 : index
      %get3A_175 = tpu.vector_load %arg8[%get3A_173, %get3A_174] {strides = array<i32>} : memref<64x128xf32, #tpu.memory_space<vmem>>, vector<16xf32>,
      %swap3A_176 = arith.index_cast %and3A_141 : i32 to index
      %swap3A_177 = arith.constant 80 : index
      %swap3A_178 = tpu.vector_load %arg7[%swap3A_176, %swap3A_177] {strides = array<i32>} : memref<256x128xf32, #tpu.memory_space<vmem>>, vector<16xf32>,
      tpu.vector_store %arg7[%swap3A_176, %swap3A_177], %get3A_175 {strides = array<i32>} : memref<256x128xf32, #tpu.memory_space<vmem>>, vector<16xf32>,
      %get3A_179 = arith.index_cast %shift_right_logical3A_143 : i32 to index
      %get3A_180 = arith.constant 96 : index
      %get3A_181 = tpu.vector_load %arg8[%get3A_179, %get3A_180] {strides = array<i32>} : memref<64x128xf32, #tpu.memory_space<vmem>>, vector<16xf32>,
      %swap3A_182 = arith.index_cast %and3A_141 : i32 to index
      %swap3A_183 = arith.constant 96 : index
      %swap3A_184 = tpu.vector_load %arg7[%swap3A_182, %swap3A_183] {strides = array<i32>} : memref<256x128xf32, #tpu.memory_space<vmem>>, vector<16xf32>,
      tpu.vector_store %arg7[%swap3A_182, %swap3A_183], %get3A_181 {strides = array<i32>} : memref<256x128xf32, #tpu.memory_space<vmem>>, vector<16xf32>,
      %get3A_185 = arith.index_cast %shift_right_logical3A_143 : i32 to index
      %get3A_186 = arith.constant 112 : index
      %get3A_187 = tpu.vector_load %arg8[%get3A_185, %get3A_186] {strides = array<i32>} : memref<64x128xf32, #tpu.memory_space<vmem>>, vector<16xf32>,
      %swap3A_188 = arith.index_cast %and3A_141 : i32 to index
      %swap3A_189 = arith.constant 112 : index
      %swap3A_190 = tpu.vector_load %arg7[%swap3A_188, %swap3A_189] {strides = array<i32>} : memref<256x128xf32, #tpu.memory_space<vmem>>, vector<16xf32>,
      tpu.vector_store %arg7[%swap3A_188, %swap3A_189], %get3A_187 {strides = array<i32>} : memref<256x128xf32, #tpu.memory_space<vmem>>, vector<16xf32>,
      %add3A_191 = arith.constant 1 : i32
      %add3A_192 = vector.broadcast %add3A_191 : i32 to vector<16xi32>
      %add3A_193 = arith.addi %while3A_140, %add3A_192 : vector<16xi32>
      scf.yield %add3A_193 : vector<16xi32>
    }
    %while3A_113 = arith.constant 1 : i32
    %while3A_114 = scf.for %while3A_139 = %while3A_110 to %while3A_106 step %while3A_113 iter_args(%while3A_140 = %while3A_112) -> (vector<16xi32>)  : i32 {
      %gather3A = tpu.vector_load_idx %arg12[%while3A_140] : memref<8192xi32, #tpu.memory_space<vmem>>[vector<16xi32>], vector<16xi32>,
      %slice3A = vector.extract_strided_slice %gather3A {offsets = [0], sizes = [1], strides = [1]} : vector<16xi32> to vector<1xi32>
      %squeeze3A = vector.extract %slice3A[0] : i32 from vector<1xi32>
      %and3A = arith.constant 255 : i32
      %and3A_141 = arith.andi %squeeze3A, %and3A : i32
      %shift_right_logical3A_142 = arith.constant 18 : i32
      %shift_right_logical3A_143 = arith.shrui %squeeze3A, %shift_right_logical3A_142 : i32
      %get3A_144 = arith.index_cast %shift_right_logical3A_143 : i32 to index
      %get3A_145 = arith.constant 0 : index
      %get3A_146 = tpu.vector_load %arg8[%get3A_144, %get3A_145] {strides = array<i32>} : memref<64x128xf32, #tpu.memory_space<vmem>>, vector<16xf32>,
      %swap3A = arith.index_cast %and3A_141 : i32 to index
      %swap3A_147 = arith.constant 0 : index
      %swap3A_148 = tpu.vector_load %arg7[%swap3A, %swap3A_147] {strides = array<i32>} : memref<256x128xf32, #tpu.memory_space<vmem>>, vector<16xf32>,
      tpu.vector_store %arg7[%swap3A, %swap3A_147], %get3A_146 {strides = array<i32>} : memref<256x128xf32, #tpu.memory_space<vmem>>, vector<16xf32>,
      %get3A_149 = arith.index_cast %shift_right_logical3A_143 : i32 to index
      %get3A_150 = arith.constant 16 : index
      %get3A_151 = tpu.vector_load %arg8[%get3A_149, %get3A_150] {strides = array<i32>} : memref<64x128xf32, #tpu.memory_space<vmem>>, vector<16xf32>,
      %swap3A_152 = arith.index_cast %and3A_141 : i32 to index
      %swap3A_153 = arith.constant 16 : index
      %swap3A_154 = tpu.vector_load %arg7[%swap3A_152, %swap3A_153] {strides = array<i32>} : memref<256x128xf32, #tpu.memory_space<vmem>>, vector<16xf32>,
      tpu.vector_store %arg7[%swap3A_152, %swap3A_153], %get3A_151 {strides = array<i32>} : memref<256x128xf32, #tpu.memory_space<vmem>>, vector<16xf32>,
      %get3A_155 = arith.index_cast %shift_right_logical3A_143 : i32 to index
      %get3A_156 = arith.constant 32 : index
      %get3A_157 = tpu.vector_load %arg8[%get3A_155, %get3A_156] {strides = array<i32>} : memref<64x128xf32, #tpu.memory_space<vmem>>, vector<16xf32>,
      %swap3A_158 = arith.index_cast %and3A_141 : i32 to index
      %swap3A_159 = arith.constant 32 : index
      %swap3A_160 = tpu.vector_load %arg7[%swap3A_158, %swap3A_159] {strides = array<i32>} : memref<256x128xf32, #tpu.memory_space<vmem>>, vector<16xf32>,
      tpu.vector_store %arg7[%swap3A_158, %swap3A_159], %get3A_157 {strides = array<i32>} : memref<256x128xf32, #tpu.memory_space<vmem>>, vector<16xf32>,
      %get3A_161 = arith.index_cast %shift_right_logical3A_143 : i32 to index
      %get3A_162 = arith.constant 48 : index
      %get3A_163 = tpu.vector_load %arg8[%get3A_161, %get3A_162] {strides = array<i32>} : memref<64x128xf32, #tpu.memory_space<vmem>>, vector<16xf32>,
      %swap3A_164 = arith.index_cast %and3A_141 : i32 to index
      %swap3A_165 = arith.constant 48 : index
      %swap3A_166 = tpu.vector_load %arg7[%swap3A_164, %swap3A_165] {strides = array<i32>} : memref<256x128xf32, #tpu.memory_space<vmem>>, vector<16xf32>,
      tpu.vector_store %arg7[%swap3A_164, %swap3A_165], %get3A_163 {strides = array<i32>} : memref<256x128xf32, #tpu.memory_space<vmem>>, vector<16xf32>,
      %get3A_167 = arith.index_cast %shift_right_logical3A_143 : i32 to index
      %get3A_168 = arith.constant 64 : index
      %get3A_169 = tpu.vector_load %arg8[%get3A_167, %get3A_168] {strides = array<i32>} : memref<64x128xf32, #tpu.memory_space<vmem>>, vector<16xf32>,
      %swap3A_170 = arith.index_cast %and3A_141 : i32 to index
      %swap3A_171 = arith.constant 64 : index
      %swap3A_172 = tpu.vector_load %arg7[%swap3A_170, %swap3A_171] {strides = array<i32>} : memref<256x128xf32, #tpu.memory_space<vmem>>, vector<16xf32>,
      tpu.vector_store %arg7[%swap3A_170, %swap3A_171], %get3A_169 {strides = array<i32>} : memref<256x128xf32, #tpu.memory_space<vmem>>, vector<16xf32>,
      %get3A_173 = arith.index_cast %shift_right_logical3A_143 : i32 to index
      %get3A_174 = arith.constant 80 : index
      %get3A_175 = tpu.vector_load %arg8[%get3A_173, %get3A_174] {strides = array<i32>} : memref<64x128xf32, #tpu.memory_space<vmem>>, vector<16xf32>,
      %swap3A_176 = arith.index_cast %and3A_141 : i32 to index
      %swap3A_177 = arith.constant 80 : index
      %swap3A_178 = tpu.vector_load %arg7[%swap3A_176, %swap3A_177] {strides = array<i32>} : memref<256x128xf32, #tpu.memory_space<vmem>>, vector<16xf32>,
      tpu.vector_store %arg7[%swap3A_176, %swap3A_177], %get3A_175 {strides = array<i32>} : memref<256x128xf32, #tpu.memory_space<vmem>>, vector<16xf32>,
      %get3A_179 = arith.index_cast %shift_right_logical3A_143 : i32 to index
      %get3A_180 = arith.constant 96 : index
      %get3A_181 = tpu.vector_load %arg8[%get3A_179, %get3A_180] {strides = array<i32>} : memref<64x128xf32, #tpu.memory_space<vmem>>, vector<16xf32>,
      %swap3A_182 = arith.index_cast %and3A_141 : i32 to index
      %swap3A_183 = arith.constant 96 : index
      %swap3A_184 = tpu.vector_load %arg7[%swap3A_182, %swap3A_183] {strides = array<i32>} : memref<256x128xf32, #tpu.memory_space<vmem>>, vector<16xf32>,
      tpu.vector_store %arg7[%swap3A_182, %swap3A_183], %get3A_181 {strides = array<i32>} : memref<256x128xf32, #tpu.memory_space<vmem>>, vector<16xf32>,
      %get3A_185 = arith.index_cast %shift_right_logical3A_143 : i32 to index
      %get3A_186 = arith.constant 112 : index
      %get3A_187 = tpu.vector_load %arg8[%get3A_185, %get3A_186] {strides = array<i32>} : memref<64x128xf32, #tpu.memory_space<vmem>>, vector<16xf32>,
      %swap3A_188 = arith.index_cast %and3A_141 : i32 to index
      %swap3A_189 = arith.constant 112 : index
      %swap3A_190 = tpu.vector_load %arg7[%swap3A_188, %swap3A_189] {strides = array<i32>} : memref<256x128xf32, #tpu.memory_space<vmem>>, vector<16xf32>,
      tpu.vector_store %arg7[%swap3A_188, %swap3A_189], %get3A_187 {strides = array<i32>} : memref<256x128xf32, #tpu.memory_space<vmem>>, vector<16xf32>,
      %add3A_191 = arith.constant 1 : i32
      %add3A_192 = vector.broadcast %add3A_191 : i32 to vector<16xi32>
      %add3A_193 = arith.addi %while3A_140, %add3A_192 : vector<16xi32>
      scf.yield %add3A_193 : vector<16xi32>
    }
    %mul3A_115 = arith.constant 1 : i32
    %mul3A_116 = arith.constant 256 : i32
    %mul3A_117 = arith.muli %mul3A_115, %mul3A_116 : i32
    %add3A_118 = arith.addi %mul3A_2, %mul3A_117 : i32
    %dma_start3A_119 = arith.constant 0 : i32
    %dma_start3A_120 = tpu.memref_slice %arg5[%add3A_118, %dma_start3A_119] : memref<262144x128xf32, #tpu.memory_space<hbm>> -> memref<256x128xf32, #tpu.memory_space<hbm>>
    %dma_start3A_121 = arith.constant 0 : i32
    %dma_start3A_122 = tpu.memref_slice %arg5[%add3A_118, %dma_start3A_121] : memref<262144x128xf32, #tpu.memory_space<hbm>> -> memref<256x128xf32, #tpu.memory_space<hbm>>
    tpu.enqueue_dma source(%arg7 : memref<256x128xf32, #tpu.memory_space<vmem>>) target(%dma_start3A_122 : memref<256x128xf32, #tpu.memory_space<hbm>>) target_semaphore(%arg14 : memref<!tpu.dma_semaphore, #tpu.memory_space<semaphore_mem>>)
    %add3A_123 = arith.constant 1 : i32
    %add3A_124 = vector.broadcast %add3A_123 : i32 to vector<16xi32>
    %add3A_125 = arith.addi %mul3A_7, %add3A_124 : vector<16xi32>
    %scan3A_126 = arith.constant 1 : i32
    %scan3A_127 = arith.constant 15 : i32
    %scan3A_128 = arith.addi %scan3A_126, %scan3A_127 : i32
    %scan3A_129 = arith.constant 1 : i32
    %scan3A_130:4 = scf.for %scan3A_139 = %scan3A_126 to %scan3A_128 step %scan3A_129 iter_args(%scan3A_140 = %while3A_70#0, %scan3A_141 = %while3A_103#0, %scan3A_142 = %mul3A_7, %scan3A_143 = %add3A_125) -> (i32, i32, vector<16xi32>, vector<16xi32>)  : i32 {
      %add3A_144 = arith.constant 2 : i32
      %add3A_145 = vector.broadcast %add3A_144 : i32 to vector<16xi32>
      %add3A_146 = arith.addi %scan3A_142, %add3A_145 : vector<16xi32>
      %add3A_147 = arith.constant 2 : i32
      %add3A_148 = vector.broadcast %add3A_147 : i32 to vector<16xi32>
      %add3A_149 = arith.addi %scan3A_143, %add3A_148 : vector<16xi32>
      %dma_wait3A_150 = arith.constant 0 : i32
      %dma_wait3A_151 = tpu.memref_slice %arg5[%mul3A_2, %dma_wait3A_150] : memref<262144x128xf32, #tpu.memory_space<hbm>> -> memref<256x128xf32, #tpu.memory_space<hbm>>
      %dma_wait3A_152 = arith.constant 0 : i32
      %dma_wait3A_153 = tpu.memref_slice %arg5[%mul3A_2, %dma_wait3A_152] : memref<262144x128xf32, #tpu.memory_space<hbm>> -> memref<256x128xf32, #tpu.memory_space<hbm>>
      tpu.wait_dma2 semaphore(%arg13 : memref<!tpu.dma_semaphore, #tpu.memory_space<semaphore_mem>>) src(%arg6 : memref<256x128xf32, #tpu.memory_space<vmem>>) dst(%dma_wait3A_153 : memref<256x128xf32, #tpu.memory_space<hbm>>)
      %while3A_154 = arith.constant 0 : i32
      %while3A_155 = arith.subi %scan3A_140, %while3A_154 : i32
      %while3A_156 = arith.addi %while3A_154, %while3A_155 : i32
      %while3A_157 = arith.constant 1 : i32
      %while3A_158 = arith.divsi %while3A_155, %while3A_157 : i32
      %while3A_159 = arith.muli %while3A_158, %while3A_157 : i32
      %while3A_160 = arith.addi %while3A_154, %while3A_159 : i32
      %while3A_161 = arith.constant 1 : i32
      %while3A_162 = scf.for %while3A_242 = %while3A_154 to %while3A_160 step %while3A_161 iter_args(%while3A_243 = %mul3A_7) -> (vector<16xi32>)  : i32 {
        %gather3A = tpu.vector_load_idx %arg11[%while3A_243] : memref<8192xi32, #tpu.memory_space<vmem>>[vector<16xi32>], vector<16xi32>,
        %slice3A_244 = vector.extract_strided_slice %gather3A {offsets = [0], sizes = [1], strides = [1]} : vector<16xi32> to vector<1xi32>
        %squeeze3A_245 = vector.extract %slice3A_244[0] : i32 from vector<1xi32>
        %and3A = arith.constant 255 : i32
        %and3A_246 = arith.andi %squeeze3A_245, %and3A : i32
        %swap3A = arith.index_cast %and3A_246 : i32 to index
        %swap3A_247 = arith.constant 0 : index
        %swap3A_248 = tpu.vector_load %arg6[%swap3A, %swap3A_247] {strides = array<i32>} : memref<256x128xf32, #tpu.memory_space<vmem>>, vector<16xf32>,
        tpu.vector_store %arg6[%swap3A, %swap3A_247], %get3A_10 {strides = array<i32>} : memref<256x128xf32, #tpu.memory_space<vmem>>, vector<16xf32>,
        %swap3A_249 = arith.index_cast %and3A_246 : i32 to index
        %swap3A_250 = arith.constant 16 : index
        %swap3A_251 = tpu.vector_load %arg6[%swap3A_249, %swap3A_250] {strides = array<i32>} : memref<256x128xf32, #tpu.memory_space<vmem>>, vector<16xf32>,
        tpu.vector_store %arg6[%swap3A_249, %swap3A_250], %get3A_14 {strides = array<i32>} : memref<256x128xf32, #tpu.memory_space<vmem>>, vector<16xf32>,
        %swap3A_252 = arith.index_cast %and3A_246 : i32 to index
        %swap3A_253 = arith.constant 32 : index
        %swap3A_254 = tpu.vector_load %arg6[%swap3A_252, %swap3A_253] {strides = array<i32>} : memref<256x128xf32, #tpu.memory_space<vmem>>, vector<16xf32>,
        tpu.vector_store %arg6[%swap3A_252, %swap3A_253], %get3A_18 {strides = array<i32>} : memref<256x128xf32, #tpu.memory_space<vmem>>, vector<16xf32>,
        %swap3A_255 = arith.index_cast %and3A_246 : i32 to index
        %swap3A_256 = arith.constant 48 : index
        %swap3A_257 = tpu.vector_load %arg6[%swap3A_255, %swap3A_256] {strides = array<i32>} : memref<256x128xf32, #tpu.memory_space<vmem>>, vector<16xf32>,
        tpu.vector_store %arg6[%swap3A_255, %swap3A_256], %get3A_22 {strides = array<i32>} : memref<256x128xf32, #tpu.memory_space<vmem>>, vector<16xf32>,
        %swap3A_258 = arith.index_cast %and3A_246 : i32 to index
        %swap3A_259 = arith.constant 64 : index
        %swap3A_260 = tpu.vector_load %arg6[%swap3A_258, %swap3A_259] {strides = array<i32>} : memref<256x128xf32, #tpu.memory_space<vmem>>, vector<16xf32>,
        tpu.vector_store %arg6[%swap3A_258, %swap3A_259], %get3A_26 {strides = array<i32>} : memref<256x128xf32, #tpu.memory_space<vmem>>, vector<16xf32>,
        %swap3A_261 = arith.index_cast %and3A_246 : i32 to index
        %swap3A_262 = arith.constant 80 : index
        %swap3A_263 = tpu.vector_load %arg6[%swap3A_261, %swap3A_262] {strides = array<i32>} : memref<256x128xf32, #tpu.memory_space<vmem>>, vector<16xf32>,
        tpu.vector_store %arg6[%swap3A_261, %swap3A_262], %get3A_30 {strides = array<i32>} : memref<256x128xf32, #tpu.memory_space<vmem>>, vector<16xf32>,
        %swap3A_264 = arith.index_cast %and3A_246 : i32 to index
        %swap3A_265 = arith.constant 96 : index
        %swap3A_266 = tpu.vector_load %arg6[%swap3A_264, %swap3A_265] {strides = array<i32>} : memref<256x128xf32, #tpu.memory_space<vmem>>, vector<16xf32>,
        tpu.vector_store %arg6[%swap3A_264, %swap3A_265], %get3A_34 {strides = array<i32>} : memref<256x128xf32, #tpu.memory_space<vmem>>, vector<16xf32>,
        %swap3A_267 = arith.index_cast %and3A_246 : i32 to index
        %swap3A_268 = arith.constant 112 : index
        %swap3A_269 = tpu.vector_load %arg6[%swap3A_267, %swap3A_268] {strides = array<i32>} : memref<256x128xf32, #tpu.memory_space<vmem>>, vector<16xf32>,
        tpu.vector_store %arg6[%swap3A_267, %swap3A_268], %get3A_38 {strides = array<i32>} : memref<256x128xf32, #tpu.memory_space<vmem>>, vector<16xf32>,
        %add3A_270 = arith.constant 1 : i32
        %add3A_271 = vector.broadcast %add3A_270 : i32 to vector<16xi32>
        %add3A_272 = arith.addi %while3A_243, %add3A_271 : vector<16xi32>
        scf.yield %add3A_272 : vector<16xi32>
      }
      %while3A_163 = arith.constant 1 : i32
      %while3A_164 = scf.for %while3A_242 = %while3A_160 to %while3A_156 step %while3A_163 iter_args(%while3A_243 = %while3A_162) -> (vector<16xi32>)  : i32 {
        %gather3A = tpu.vector_load_idx %arg11[%while3A_243] : memref<8192xi32, #tpu.memory_space<vmem>>[vector<16xi32>], vector<16xi32>,
        %slice3A_244 = vector.extract_strided_slice %gather3A {offsets = [0], sizes = [1], strides = [1]} : vector<16xi32> to vector<1xi32>
        %squeeze3A_245 = vector.extract %slice3A_244[0] : i32 from vector<1xi32>
        %and3A = arith.constant 255 : i32
        %and3A_246 = arith.andi %squeeze3A_245, %and3A : i32
        %swap3A = arith.index_cast %and3A_246 : i32 to index
        %swap3A_247 = arith.constant 0 : index
        %swap3A_248 = tpu.vector_load %arg6[%swap3A, %swap3A_247] {strides = array<i32>} : memref<256x128xf32, #tpu.memory_space<vmem>>, vector<16xf32>,
        tpu.vector_store %arg6[%swap3A, %swap3A_247], %get3A_10 {strides = array<i32>} : memref<256x128xf32, #tpu.memory_space<vmem>>, vector<16xf32>,
        %swap3A_249 = arith.index_cast %and3A_246 : i32 to index
        %swap3A_250 = arith.constant 16 : index
        %swap3A_251 = tpu.vector_load %arg6[%swap3A_249, %swap3A_250] {strides = array<i32>} : memref<256x128xf32, #tpu.memory_space<vmem>>, vector<16xf32>,
        tpu.vector_store %arg6[%swap3A_249, %swap3A_250], %get3A_14 {strides = array<i32>} : memref<256x128xf32, #tpu.memory_space<vmem>>, vector<16xf32>,
        %swap3A_252 = arith.index_cast %and3A_246 : i32 to index
        %swap3A_253 = arith.constant 32 : index
        %swap3A_254 = tpu.vector_load %arg6[%swap3A_252, %swap3A_253] {strides = array<i32>} : memref<256x128xf32, #tpu.memory_space<vmem>>, vector<16xf32>,
        tpu.vector_store %arg6[%swap3A_252, %swap3A_253], %get3A_18 {strides = array<i32>} : memref<256x128xf32, #tpu.memory_space<vmem>>, vector<16xf32>,
        %swap3A_255 = arith.index_cast %and3A_246 : i32 to index
        %swap3A_256 = arith.constant 48 : index
        %swap3A_257 = tpu.vector_load %arg6[%swap3A_255, %swap3A_256] {strides = array<i32>} : memref<256x128xf32, #tpu.memory_space<vmem>>, vector<16xf32>,
        tpu.vector_store %arg6[%swap3A_255, %swap3A_256], %get3A_22 {strides = array<i32>} : memref<256x128xf32, #tpu.memory_space<vmem>>, vector<16xf32>,
        %swap3A_258 = arith.index_cast %and3A_246 : i32 to index
        %swap3A_259 = arith.constant 64 : index
        %swap3A_260 = tpu.vector_load %arg6[%swap3A_258, %swap3A_259] {strides = array<i32>} : memref<256x128xf32, #tpu.memory_space<vmem>>, vector<16xf32>,
        tpu.vector_store %arg6[%swap3A_258, %swap3A_259], %get3A_26 {strides = array<i32>} : memref<256x128xf32, #tpu.memory_space<vmem>>, vector<16xf32>,
        %swap3A_261 = arith.index_cast %and3A_246 : i32 to index
        %swap3A_262 = arith.constant 80 : index
        %swap3A_263 = tpu.vector_load %arg6[%swap3A_261, %swap3A_262] {strides = array<i32>} : memref<256x128xf32, #tpu.memory_space<vmem>>, vector<16xf32>,
        tpu.vector_store %arg6[%swap3A_261, %swap3A_262], %get3A_30 {strides = array<i32>} : memref<256x128xf32, #tpu.memory_space<vmem>>, vector<16xf32>,
        %swap3A_264 = arith.index_cast %and3A_246 : i32 to index
        %swap3A_265 = arith.constant 96 : index
        %swap3A_266 = tpu.vector_load %arg6[%swap3A_264, %swap3A_265] {strides = array<i32>} : memref<256x128xf32, #tpu.memory_space<vmem>>, vector<16xf32>,
        tpu.vector_store %arg6[%swap3A_264, %swap3A_265], %get3A_34 {strides = array<i32>} : memref<256x128xf32, #tpu.memory_space<vmem>>, vector<16xf32>,
        %swap3A_267 = arith.index_cast %and3A_246 : i32 to index
        %swap3A_268 = arith.constant 112 : index
        %swap3A_269 = tpu.vector_load %arg6[%swap3A_267, %swap3A_268] {strides = array<i32>} : memref<256x128xf32, #tpu.memory_space<vmem>>, vector<16xf32>,
        tpu.vector_store %arg6[%swap3A_267, %swap3A_268], %get3A_38 {strides = array<i32>} : memref<256x128xf32, #tpu.memory_space<vmem>>, vector<16xf32>,
        %add3A_270 = arith.constant 1 : i32
        %add3A_271 = vector.broadcast %add3A_270 : i32 to vector<16xi32>
        %add3A_272 = arith.addi %while3A_243, %add3A_271 : vector<16xi32>
        scf.yield %add3A_272 : vector<16xi32>
      }
      %while3A_165 = arith.constant 0 : i32
      %while3A_166 = arith.constant 0 : i32
      %while3A_167 = arith.subi %shift_right_logical3A_59, %while3A_165 : i32
      %while3A_168 = arith.addi %while3A_165, %while3A_167 : i32
      %while3A_169 = arith.constant 1 : i32
      %while3A_170 = arith.divsi %while3A_167, %while3A_169 : i32
      %while3A_171 = arith.muli %while3A_170, %while3A_169 : i32
      %while3A_172 = arith.addi %while3A_165, %while3A_171 : i32
      %while3A_173 = arith.constant 1 : i32
      %while3A_174:2 = scf.for %while3A_242 = %while3A_165 to %while3A_172 step %while3A_173 iter_args(%while3A_243 = %while3A_166, %while3A_244 = %iota3A) -> (i32, vector<16xi32>)  : i32 {
        %mul3A_245 = arith.constant 16 : i32
        %mul3A_246 = arith.muli %while3A_242, %mul3A_245 : i32
        %get3A_247 = arith.index_cast %mul3A_246 : i32 to index
        %get3A_248 = tpu.vector_load %arg10[%get3A_247] {strides = array<i32>} : memref<8192xi32, #tpu.memory_space<vmem>>, vector<16xi32>,
        %and3A = arith.constant 262143 : i32
        %and3A_249 = vector.broadcast %and3A : i32 to vector<16xi32>
        %and3A_250 = arith.andi %get3A_248, %and3A_249 : vector<16xi32>
        %sub3A = vector.broadcast %mul3A_2 : i32 to vector<16xi32>
        %sub3A_251 = arith.subi %and3A_250, %sub3A : vector<16xi32>
        %shift_right_logical3A_252 = arith.constant 8 : i32
        %shift_right_logical3A_253 = vector.broadcast %shift_right_logical3A_252 : i32 to vector<16xi32>
        %shift_right_logical3A_254 = arith.shrui %sub3A_251, %shift_right_logical3A_253 : vector<16xi32>
        %eq3A = arith.cmpi eq, %shift_right_logical3A_254, %add3A_146 : vector<16xi32>
        %lt3A = vector.broadcast %scan3A_55 : i32 to vector<16xi32>
        %lt3A_255 = arith.cmpi slt, %while3A_244, %lt3A : vector<16xi32>
        %and3A_256 = arith.andi %eq3A, %lt3A_255 : vector<16xi1>
        %convert_element_type3A = arith.extui %and3A_256 : vector<16xi1> to vector<16xi32>
        %broadcast_in_dim3A = arith.constant true
        %broadcast_in_dim3A_257 = vector.broadcast %broadcast_in_dim3A : i1 to vector<16xi1>
        %masked_cumsum3A = tpu.scan <sum>, %convert_element_type3A masked %broadcast_in_dim3A_257 : vector<16xi32>, vector<16xi1> -> vector<16xi32>
        %add3A_258 = vector.broadcast %while3A_243 : i32 to vector<16xi32>
        %add3A_259 = arith.addi %add3A_258, %masked_cumsum3A : vector<16xi32>
        %sub3A_260 = arith.constant 1 : i32
        %sub3A_261 = vector.broadcast %sub3A_260 : i32 to vector<16xi32>
        %sub3A_262 = arith.subi %add3A_259, %sub3A_261 : vector<16xi32>
        %max3A = arith.constant 0 : i32
        %max3A_263 = vector.broadcast %max3A : i32 to vector<16xi32>
        %max3A_264 = arith.maxsi %sub3A_262, %max3A_263 : vector<16xi32>
        tpu.vector_store_idx %arg11[%max3A_264], %get3A_248 masked %and3A_256 : memref<8192xi32, #tpu.memory_space<vmem>>[vector<16xi32>], vector<16xi32>, vector<16xi1>
        %slice3A_265 = vector.extract_strided_slice %masked_cumsum3A {offsets = [15], sizes = [1], strides = [1]} : vector<16xi32> to vector<1xi32>
        %squeeze3A_266 = vector.extract %slice3A_265[0] : i32 from vector<1xi32>
        %add3A_267 = arith.addi %while3A_243, %squeeze3A_266 : i32
        %add3A_268 = arith.constant 16 : i32
        %add3A_269 = vector.broadcast %add3A_268 : i32 to vector<16xi32>
        %add3A_270 = arith.addi %while3A_244, %add3A_269 : vector<16xi32>
        scf.yield %add3A_267, %add3A_270 : i32, vector<16xi32>
      }
      %while3A_175 = arith.constant 1 : i32
      %while3A_176:2 = scf.for %while3A_242 = %while3A_172 to %while3A_168 step %while3A_175 iter_args(%while3A_243 = %while3A_174#0, %while3A_244 = %while3A_174#1) -> (i32, vector<16xi32>)  : i32 {
        %mul3A_245 = arith.constant 16 : i32
        %mul3A_246 = arith.muli %while3A_242, %mul3A_245 : i32
        %get3A_247 = arith.index_cast %mul3A_246 : i32 to index
        %get3A_248 = tpu.vector_load %arg10[%get3A_247] {strides = array<i32>} : memref<8192xi32, #tpu.memory_space<vmem>>, vector<16xi32>,
        %and3A = arith.constant 262143 : i32
        %and3A_249 = vector.broadcast %and3A : i32 to vector<16xi32>
        %and3A_250 = arith.andi %get3A_248, %and3A_249 : vector<16xi32>
        %sub3A = vector.broadcast %mul3A_2 : i32 to vector<16xi32>
        %sub3A_251 = arith.subi %and3A_250, %sub3A : vector<16xi32>
        %shift_right_logical3A_252 = arith.constant 8 : i32
        %shift_right_logical3A_253 = vector.broadcast %shift_right_logical3A_252 : i32 to vector<16xi32>
        %shift_right_logical3A_254 = arith.shrui %sub3A_251, %shift_right_logical3A_253 : vector<16xi32>
        %eq3A = arith.cmpi eq, %shift_right_logical3A_254, %add3A_146 : vector<16xi32>
        %lt3A = vector.broadcast %scan3A_55 : i32 to vector<16xi32>
        %lt3A_255 = arith.cmpi slt, %while3A_244, %lt3A : vector<16xi32>
        %and3A_256 = arith.andi %eq3A, %lt3A_255 : vector<16xi1>
        %convert_element_type3A = arith.extui %and3A_256 : vector<16xi1> to vector<16xi32>
        %broadcast_in_dim3A = arith.constant true
        %broadcast_in_dim3A_257 = vector.broadcast %broadcast_in_dim3A : i1 to vector<16xi1>
        %masked_cumsum3A = tpu.scan <sum>, %convert_element_type3A masked %broadcast_in_dim3A_257 : vector<16xi32>, vector<16xi1> -> vector<16xi32>
        %add3A_258 = vector.broadcast %while3A_243 : i32 to vector<16xi32>
        %add3A_259 = arith.addi %add3A_258, %masked_cumsum3A : vector<16xi32>
        %sub3A_260 = arith.constant 1 : i32
        %sub3A_261 = vector.broadcast %sub3A_260 : i32 to vector<16xi32>
        %sub3A_262 = arith.subi %add3A_259, %sub3A_261 : vector<16xi32>
        %max3A = arith.constant 0 : i32
        %max3A_263 = vector.broadcast %max3A : i32 to vector<16xi32>
        %max3A_264 = arith.maxsi %sub3A_262, %max3A_263 : vector<16xi32>
        tpu.vector_store_idx %arg11[%max3A_264], %get3A_248 masked %and3A_256 : memref<8192xi32, #tpu.memory_space<vmem>>[vector<16xi32>], vector<16xi32>, vector<16xi1>
        %slice3A_265 = vector.extract_strided_slice %masked_cumsum3A {offsets = [15], sizes = [1], strides = [1]} : vector<16xi32> to vector<1xi32>
        %squeeze3A_266 = vector.extract %slice3A_265[0] : i32 from vector<1xi32>
        %add3A_267 = arith.addi %while3A_243, %squeeze3A_266 : i32
        %add3A_268 = arith.constant 16 : i32
        %add3A_269 = vector.broadcast %add3A_268 : i32 to vector<16xi32>
        %add3A_270 = arith.addi %while3A_244, %add3A_269 : vector<16xi32>
        scf.yield %add3A_267, %add3A_270 : i32, vector<16xi32>
      }
      %while3A_177 = arith.constant 0 : i32
      %while3A_178 = arith.subi %while3A_176#0, %while3A_177 : i32
      %while3A_179 = arith.addi %while3A_177, %while3A_178 : i32
      %while3A_180 = arith.constant 1 : i32
      %while3A_181 = arith.divsi %while3A_178, %while3A_180 : i32
      %while3A_182 = arith.muli %while3A_181, %while3A_180 : i32
      %while3A_183 = arith.addi %while3A_177, %while3A_182 : i32
      %while3A_184 = arith.constant 1 : i32
      %while3A_185 = scf.for %while3A_242 = %while3A_177 to %while3A_183 step %while3A_184 iter_args(%while3A_243 = %mul3A_7) -> (vector<16xi32>)  : i32 {
        %gather3A = tpu.vector_load_idx %arg11[%while3A_243] : memref<8192xi32, #tpu.memory_space<vmem>>[vector<16xi32>], vector<16xi32>,
        %slice3A_244 = vector.extract_strided_slice %gather3A {offsets = [0], sizes = [1], strides = [1]} : vector<16xi32> to vector<1xi32>
        %squeeze3A_245 = vector.extract %slice3A_244[0] : i32 from vector<1xi32>
        %and3A = arith.constant 255 : i32
        %and3A_246 = arith.andi %squeeze3A_245, %and3A : i32
        %shift_right_logical3A_247 = arith.constant 18 : i32
        %shift_right_logical3A_248 = arith.shrui %squeeze3A_245, %shift_right_logical3A_247 : i32
        %get3A_249 = arith.index_cast %shift_right_logical3A_248 : i32 to index
        %get3A_250 = arith.constant 0 : index
        %get3A_251 = tpu.vector_load %arg8[%get3A_249, %get3A_250] {strides = array<i32>} : memref<64x128xf32, #tpu.memory_space<vmem>>, vector<16xf32>,
        %swap3A = arith.index_cast %and3A_246 : i32 to index
        %swap3A_252 = arith.constant 0 : index
        %swap3A_253 = tpu.vector_load %arg6[%swap3A, %swap3A_252] {strides = array<i32>} : memref<256x128xf32, #tpu.memory_space<vmem>>, vector<16xf32>,
        tpu.vector_store %arg6[%swap3A, %swap3A_252], %get3A_251 {strides = array<i32>} : memref<256x128xf32, #tpu.memory_space<vmem>>, vector<16xf32>,
        %get3A_254 = arith.index_cast %shift_right_logical3A_248 : i32 to index
        %get3A_255 = arith.constant 16 : index
        %get3A_256 = tpu.vector_load %arg8[%get3A_254, %get3A_255] {strides = array<i32>} : memref<64x128xf32, #tpu.memory_space<vmem>>, vector<16xf32>,
        %swap3A_257 = arith.index_cast %and3A_246 : i32 to index
        %swap3A_258 = arith.constant 16 : index
        %swap3A_259 = tpu.vector_load %arg6[%swap3A_257, %swap3A_258] {strides = array<i32>} : memref<256x128xf32, #tpu.memory_space<vmem>>, vector<16xf32>,
        tpu.vector_store %arg6[%swap3A_257, %swap3A_258], %get3A_256 {strides = array<i32>} : memref<256x128xf32, #tpu.memory_space<vmem>>, vector<16xf32>,
        %get3A_260 = arith.index_cast %shift_right_logical3A_248 : i32 to index
        %get3A_261 = arith.constant 32 : index
        %get3A_262 = tpu.vector_load %arg8[%get3A_260, %get3A_261] {strides = array<i32>} : memref<64x128xf32, #tpu.memory_space<vmem>>, vector<16xf32>,
        %swap3A_263 = arith.index_cast %and3A_246 : i32 to index
        %swap3A_264 = arith.constant 32 : index
        %swap3A_265 = tpu.vector_load %arg6[%swap3A_263, %swap3A_264] {strides = array<i32>} : memref<256x128xf32, #tpu.memory_space<vmem>>, vector<16xf32>,
        tpu.vector_store %arg6[%swap3A_263, %swap3A_264], %get3A_262 {strides = array<i32>} : memref<256x128xf32, #tpu.memory_space<vmem>>, vector<16xf32>,
        %get3A_266 = arith.index_cast %shift_right_logical3A_248 : i32 to index
        %get3A_267 = arith.constant 48 : index
        %get3A_268 = tpu.vector_load %arg8[%get3A_266, %get3A_267] {strides = array<i32>} : memref<64x128xf32, #tpu.memory_space<vmem>>, vector<16xf32>,
        %swap3A_269 = arith.index_cast %and3A_246 : i32 to index
        %swap3A_270 = arith.constant 48 : index
        %swap3A_271 = tpu.vector_load %arg6[%swap3A_269, %swap3A_270] {strides = array<i32>} : memref<256x128xf32, #tpu.memory_space<vmem>>, vector<16xf32>,
        tpu.vector_store %arg6[%swap3A_269, %swap3A_270], %get3A_268 {strides = array<i32>} : memref<256x128xf32, #tpu.memory_space<vmem>>, vector<16xf32>,
        %get3A_272 = arith.index_cast %shift_right_logical3A_248 : i32 to index
        %get3A_273 = arith.constant 64 : index
        %get3A_274 = tpu.vector_load %arg8[%get3A_272, %get3A_273] {strides = array<i32>} : memref<64x128xf32, #tpu.memory_space<vmem>>, vector<16xf32>,
        %swap3A_275 = arith.index_cast %and3A_246 : i32 to index
        %swap3A_276 = arith.constant 64 : index
        %swap3A_277 = tpu.vector_load %arg6[%swap3A_275, %swap3A_276] {strides = array<i32>} : memref<256x128xf32, #tpu.memory_space<vmem>>, vector<16xf32>,
        tpu.vector_store %arg6[%swap3A_275, %swap3A_276], %get3A_274 {strides = array<i32>} : memref<256x128xf32, #tpu.memory_space<vmem>>, vector<16xf32>,
        %get3A_278 = arith.index_cast %shift_right_logical3A_248 : i32 to index
        %get3A_279 = arith.constant 80 : index
        %get3A_280 = tpu.vector_load %arg8[%get3A_278, %get3A_279] {strides = array<i32>} : memref<64x128xf32, #tpu.memory_space<vmem>>, vector<16xf32>,
        %swap3A_281 = arith.index_cast %and3A_246 : i32 to index
        %swap3A_282 = arith.constant 80 : index
        %swap3A_283 = tpu.vector_load %arg6[%swap3A_281, %swap3A_282] {strides = array<i32>} : memref<256x128xf32, #tpu.memory_space<vmem>>, vector<16xf32>,
        tpu.vector_store %arg6[%swap3A_281, %swap3A_282], %get3A_280 {strides = array<i32>} : memref<256x128xf32, #tpu.memory_space<vmem>>, vector<16xf32>,
        %get3A_284 = arith.index_cast %shift_right_logical3A_248 : i32 to index
        %get3A_285 = arith.constant 96 : index
        %get3A_286 = tpu.vector_load %arg8[%get3A_284, %get3A_285] {strides = array<i32>} : memref<64x128xf32, #tpu.memory_space<vmem>>, vector<16xf32>,
        %swap3A_287 = arith.index_cast %and3A_246 : i32 to index
        %swap3A_288 = arith.constant 96 : index
        %swap3A_289 = tpu.vector_load %arg6[%swap3A_287, %swap3A_288] {strides = array<i32>} : memref<256x128xf32, #tpu.memory_space<vmem>>, vector<16xf32>,
        tpu.vector_store %arg6[%swap3A_287, %swap3A_288], %get3A_286 {strides = array<i32>} : memref<256x128xf32, #tpu.memory_space<vmem>>, vector<16xf32>,
        %get3A_290 = arith.index_cast %shift_right_logical3A_248 : i32 to index
        %get3A_291 = arith.constant 112 : index
        %get3A_292 = tpu.vector_load %arg8[%get3A_290, %get3A_291] {strides = array<i32>} : memref<64x128xf32, #tpu.memory_space<vmem>>, vector<16xf32>,
        %swap3A_293 = arith.index_cast %and3A_246 : i32 to index
        %swap3A_294 = arith.constant 112 : index
        %swap3A_295 = tpu.vector_load %arg6[%swap3A_293, %swap3A_294] {strides = array<i32>} : memref<256x128xf32, #tpu.memory_space<vmem>>, vector<16xf32>,
        tpu.vector_store %arg6[%swap3A_293, %swap3A_294], %get3A_292 {strides = array<i32>} : memref<256x128xf32, #tpu.memory_space<vmem>>, vector<16xf32>,
        %add3A_296 = arith.constant 1 : i32
        %add3A_297 = vector.broadcast %add3A_296 : i32 to vector<16xi32>
        %add3A_298 = arith.addi %while3A_243, %add3A_297 : vector<16xi32>
        scf.yield %add3A_298 : vector<16xi32>
      }
      %while3A_186 = arith.constant 1 : i32
      %while3A_187 = scf.for %while3A_242 = %while3A_183 to %while3A_179 step %while3A_186 iter_args(%while3A_243 = %while3A_185) -> (vector<16xi32>)  : i32 {
        %gather3A = tpu.vector_load_idx %arg11[%while3A_243] : memref<8192xi32, #tpu.memory_space<vmem>>[vector<16xi32>], vector<16xi32>,
        %slice3A_244 = vector.extract_strided_slice %gather3A {offsets = [0], sizes = [1], strides = [1]} : vector<16xi32> to vector<1xi32>
        %squeeze3A_245 = vector.extract %slice3A_244[0] : i32 from vector<1xi32>
        %and3A = arith.constant 255 : i32
        %and3A_246 = arith.andi %squeeze3A_245, %and3A : i32
        %shift_right_logical3A_247 = arith.constant 18 : i32
        %shift_right_logical3A_248 = arith.shrui %squeeze3A_245, %shift_right_logical3A_247 : i32
        %get3A_249 = arith.index_cast %shift_right_logical3A_248 : i32 to index
        %get3A_250 = arith.constant 0 : index
        %get3A_251 = tpu.vector_load %arg8[%get3A_249, %get3A_250] {strides = array<i32>} : memref<64x128xf32, #tpu.memory_space<vmem>>, vector<16xf32>,
        %swap3A = arith.index_cast %and3A_246 : i32 to index
        %swap3A_252 = arith.constant 0 : index
        %swap3A_253 = tpu.vector_load %arg6[%swap3A, %swap3A_252] {strides = array<i32>} : memref<256x128xf32, #tpu.memory_space<vmem>>, vector<16xf32>,
        tpu.vector_store %arg6[%swap3A, %swap3A_252], %get3A_251 {strides = array<i32>} : memref<256x128xf32, #tpu.memory_space<vmem>>, vector<16xf32>,
        %get3A_254 = arith.index_cast %shift_right_logical3A_248 : i32 to index
        %get3A_255 = arith.constant 16 : index
        %get3A_256 = tpu.vector_load %arg8[%get3A_254, %get3A_255] {strides = array<i32>} : memref<64x128xf32, #tpu.memory_space<vmem>>, vector<16xf32>,
        %swap3A_257 = arith.index_cast %and3A_246 : i32 to index
        %swap3A_258 = arith.constant 16 : index
        %swap3A_259 = tpu.vector_load %arg6[%swap3A_257, %swap3A_258] {strides = array<i32>} : memref<256x128xf32, #tpu.memory_space<vmem>>, vector<16xf32>,
        tpu.vector_store %arg6[%swap3A_257, %swap3A_258], %get3A_256 {strides = array<i32>} : memref<256x128xf32, #tpu.memory_space<vmem>>, vector<16xf32>,
        %get3A_260 = arith.index_cast %shift_right_logical3A_248 : i32 to index
        %get3A_261 = arith.constant 32 : index
        %get3A_262 = tpu.vector_load %arg8[%get3A_260, %get3A_261] {strides = array<i32>} : memref<64x128xf32, #tpu.memory_space<vmem>>, vector<16xf32>,
        %swap3A_263 = arith.index_cast %and3A_246 : i32 to index
        %swap3A_264 = arith.constant 32 : index
        %swap3A_265 = tpu.vector_load %arg6[%swap3A_263, %swap3A_264] {strides = array<i32>} : memref<256x128xf32, #tpu.memory_space<vmem>>, vector<16xf32>,
        tpu.vector_store %arg6[%swap3A_263, %swap3A_264], %get3A_262 {strides = array<i32>} : memref<256x128xf32, #tpu.memory_space<vmem>>, vector<16xf32>,
        %get3A_266 = arith.index_cast %shift_right_logical3A_248 : i32 to index
        %get3A_267 = arith.constant 48 : index
        %get3A_268 = tpu.vector_load %arg8[%get3A_266, %get3A_267] {strides = array<i32>} : memref<64x128xf32, #tpu.memory_space<vmem>>, vector<16xf32>,
        %swap3A_269 = arith.index_cast %and3A_246 : i32 to index
        %swap3A_270 = arith.constant 48 : index
        %swap3A_271 = tpu.vector_load %arg6[%swap3A_269, %swap3A_270] {strides = array<i32>} : memref<256x128xf32, #tpu.memory_space<vmem>>, vector<16xf32>,
        tpu.vector_store %arg6[%swap3A_269, %swap3A_270], %get3A_268 {strides = array<i32>} : memref<256x128xf32, #tpu.memory_space<vmem>>, vector<16xf32>,
        %get3A_272 = arith.index_cast %shift_right_logical3A_248 : i32 to index
        %get3A_273 = arith.constant 64 : index
        %get3A_274 = tpu.vector_load %arg8[%get3A_272, %get3A_273] {strides = array<i32>} : memref<64x128xf32, #tpu.memory_space<vmem>>, vector<16xf32>,
        %swap3A_275 = arith.index_cast %and3A_246 : i32 to index
        %swap3A_276 = arith.constant 64 : index
        %swap3A_277 = tpu.vector_load %arg6[%swap3A_275, %swap3A_276] {strides = array<i32>} : memref<256x128xf32, #tpu.memory_space<vmem>>, vector<16xf32>,
        tpu.vector_store %arg6[%swap3A_275, %swap3A_276], %get3A_274 {strides = array<i32>} : memref<256x128xf32, #tpu.memory_space<vmem>>, vector<16xf32>,
        %get3A_278 = arith.index_cast %shift_right_logical3A_248 : i32 to index
        %get3A_279 = arith.constant 80 : index
        %get3A_280 = tpu.vector_load %arg8[%get3A_278, %get3A_279] {strides = array<i32>} : memref<64x128xf32, #tpu.memory_space<vmem>>, vector<16xf32>,
        %swap3A_281 = arith.index_cast %and3A_246 : i32 to index
        %swap3A_282 = arith.constant 80 : index
        %swap3A_283 = tpu.vector_load %arg6[%swap3A_281, %swap3A_282] {strides = array<i32>} : memref<256x128xf32, #tpu.memory_space<vmem>>, vector<16xf32>,
        tpu.vector_store %arg6[%swap3A_281, %swap3A_282], %get3A_280 {strides = array<i32>} : memref<256x128xf32, #tpu.memory_space<vmem>>, vector<16xf32>,
        %get3A_284 = arith.index_cast %shift_right_logical3A_248 : i32 to index
        %get3A_285 = arith.constant 96 : index
        %get3A_286 = tpu.vector_load %arg8[%get3A_284, %get3A_285] {strides = array<i32>} : memref<64x128xf32, #tpu.memory_space<vmem>>, vector<16xf32>,
        %swap3A_287 = arith.index_cast %and3A_246 : i32 to index
        %swap3A_288 = arith.constant 96 : index
        %swap3A_289 = tpu.vector_load %arg6[%swap3A_287, %swap3A_288] {strides = array<i32>} : memref<256x128xf32, #tpu.memory_space<vmem>>, vector<16xf32>,
        tpu.vector_store %arg6[%swap3A_287, %swap3A_288], %get3A_286 {strides = array<i32>} : memref<256x128xf32, #tpu.memory_space<vmem>>, vector<16xf32>,
        %get3A_290 = arith.index_cast %shift_right_logical3A_248 : i32 to index
        %get3A_291 = arith.constant 112 : index
        %get3A_292 = tpu.vector_load %arg8[%get3A_290, %get3A_291] {strides = array<i32>} : memref<64x128xf32, #tpu.memory_space<vmem>>, vector<16xf32>,
        %swap3A_293 = arith.index_cast %and3A_246 : i32 to index
        %swap3A_294 = arith.constant 112 : index
        %swap3A_295 = tpu.vector_load %arg6[%swap3A_293, %swap3A_294] {strides = array<i32>} : memref<256x128xf32, #tpu.memory_space<vmem>>, vector<16xf32>,
        tpu.vector_store %arg6[%swap3A_293, %swap3A_294], %get3A_292 {strides = array<i32>} : memref<256x128xf32, #tpu.memory_space<vmem>>, vector<16xf32>,
        %add3A_296 = arith.constant 1 : i32
        %add3A_297 = vector.broadcast %add3A_296 : i32 to vector<16xi32>
        %add3A_298 = arith.addi %while3A_243, %add3A_297 : vector<16xi32>
        scf.yield %add3A_298 : vector<16xi32>
      }
      %slice3A = vector.extract_strided_slice %add3A_146 {offsets = [0], sizes = [1], strides = [1]} : vector<16xi32> to vector<1xi32>
      %squeeze3A = vector.extract %slice3A[0] : i32 from vector<1xi32>
      %mul3A_188 = arith.constant 256 : i32
      %mul3A_189 = arith.muli %squeeze3A, %mul3A_188 : i32
      %add3A_190 = arith.addi %mul3A_2, %mul3A_189 : i32
      %dma_start3A_191 = arith.constant 0 : i32
      %dma_start3A_192 = tpu.memref_slice %arg5[%add3A_190, %dma_start3A_191] : memref<262144x128xf32, #tpu.memory_space<hbm>> -> memref<256x128xf32, #tpu.memory_space<hbm>>
      %dma_start3A_193 = arith.constant 0 : i32
      %dma_start3A_194 = tpu.memref_slice %arg5[%add3A_190, %dma_start3A_193] : memref<262144x128xf32, #tpu.memory_space<hbm>> -> memref<256x128xf32, #tpu.memory_space<hbm>>
      tpu.enqueue_dma source(%arg6 : memref<256x128xf32, #tpu.memory_space<vmem>>) target(%dma_start3A_194 : memref<256x128xf32, #tpu.memory_space<hbm>>) target_semaphore(%arg13 : memref<!tpu.dma_semaphore, #tpu.memory_space<semaphore_mem>>)
      %dma_wait3A_195 = arith.constant 0 : i32
      %dma_wait3A_196 = tpu.memref_slice %arg5[%mul3A_2, %dma_wait3A_195] : memref<262144x128xf32, #tpu.memory_space<hbm>> -> memref<256x128xf32, #tpu.memory_space<hbm>>
      %dma_wait3A_197 = arith.constant 0 : i32
      %dma_wait3A_198 = tpu.memref_slice %arg5[%mul3A_2, %dma_wait3A_197] : memref<262144x128xf32, #tpu.memory_space<hbm>> -> memref<256x128xf32, #tpu.memory_space<hbm>>
      tpu.wait_dma2 semaphore(%arg14 : memref<!tpu.dma_semaphore, #tpu.memory_space<semaphore_mem>>) src(%arg7 : memref<256x128xf32, #tpu.memory_space<vmem>>) dst(%dma_wait3A_198 : memref<256x128xf32, #tpu.memory_space<hbm>>)
      %while3A_199 = arith.constant 0 : i32
      %while3A_200 = arith.subi %scan3A_141, %while3A_199 : i32
      %while3A_201 = arith.addi %while3A_199, %while3A_200 : i32
      %while3A_202 = arith.constant 1 : i32
      %while3A_203 = arith.divsi %while3A_200, %while3A_202 : i32
      %while3A_204 = arith.muli %while3A_203, %while3A_202 : i32
      %while3A_205 = arith.addi %while3A_199, %while3A_204 : i32
      %while3A_206 = arith.constant 1 : i32
      %while3A_207 = scf.for %while3A_242 = %while3A_199 to %while3A_205 step %while3A_206 iter_args(%while3A_243 = %mul3A_7) -> (vector<16xi32>)  : i32 {
        %gather3A = tpu.vector_load_idx %arg12[%while3A_243] : memref<8192xi32, #tpu.memory_space<vmem>>[vector<16xi32>], vector<16xi32>,
        %slice3A_244 = vector.extract_strided_slice %gather3A {offsets = [0], sizes = [1], strides = [1]} : vector<16xi32> to vector<1xi32>
        %squeeze3A_245 = vector.extract %slice3A_244[0] : i32 from vector<1xi32>
        %and3A = arith.constant 255 : i32
        %and3A_246 = arith.andi %squeeze3A_245, %and3A : i32
        %swap3A = arith.index_cast %and3A_246 : i32 to index
        %swap3A_247 = arith.constant 0 : index
        %swap3A_248 = tpu.vector_load %arg7[%swap3A, %swap3A_247] {strides = array<i32>} : memref<256x128xf32, #tpu.memory_space<vmem>>, vector<16xf32>,
        tpu.vector_store %arg7[%swap3A, %swap3A_247], %get3A_10 {strides = array<i32>} : memref<256x128xf32, #tpu.memory_space<vmem>>, vector<16xf32>,
        %swap3A_249 = arith.index_cast %and3A_246 : i32 to index
        %swap3A_250 = arith.constant 16 : index
        %swap3A_251 = tpu.vector_load %arg7[%swap3A_249, %swap3A_250] {strides = array<i32>} : memref<256x128xf32, #tpu.memory_space<vmem>>, vector<16xf32>,
        tpu.vector_store %arg7[%swap3A_249, %swap3A_250], %get3A_14 {strides = array<i32>} : memref<256x128xf32, #tpu.memory_space<vmem>>, vector<16xf32>,
        %swap3A_252 = arith.index_cast %and3A_246 : i32 to index
        %swap3A_253 = arith.constant 32 : index
        %swap3A_254 = tpu.vector_load %arg7[%swap3A_252, %swap3A_253] {strides = array<i32>} : memref<256x128xf32, #tpu.memory_space<vmem>>, vector<16xf32>,
        tpu.vector_store %arg7[%swap3A_252, %swap3A_253], %get3A_18 {strides = array<i32>} : memref<256x128xf32, #tpu.memory_space<vmem>>, vector<16xf32>,
        %swap3A_255 = arith.index_cast %and3A_246 : i32 to index
        %swap3A_256 = arith.constant 48 : index
        %swap3A_257 = tpu.vector_load %arg7[%swap3A_255, %swap3A_256] {strides = array<i32>} : memref<256x128xf32, #tpu.memory_space<vmem>>, vector<16xf32>,
        tpu.vector_store %arg7[%swap3A_255, %swap3A_256], %get3A_22 {strides = array<i32>} : memref<256x128xf32, #tpu.memory_space<vmem>>, vector<16xf32>,
        %swap3A_258 = arith.index_cast %and3A_246 : i32 to index
        %swap3A_259 = arith.constant 64 : index
        %swap3A_260 = tpu.vector_load %arg7[%swap3A_258, %swap3A_259] {strides = array<i32>} : memref<256x128xf32, #tpu.memory_space<vmem>>, vector<16xf32>,
        tpu.vector_store %arg7[%swap3A_258, %swap3A_259], %get3A_26 {strides = array<i32>} : memref<256x128xf32, #tpu.memory_space<vmem>>, vector<16xf32>,
        %swap3A_261 = arith.index_cast %and3A_246 : i32 to index
        %swap3A_262 = arith.constant 80 : index
        %swap3A_263 = tpu.vector_load %arg7[%swap3A_261, %swap3A_262] {strides = array<i32>} : memref<256x128xf32, #tpu.memory_space<vmem>>, vector<16xf32>,
        tpu.vector_store %arg7[%swap3A_261, %swap3A_262], %get3A_30 {strides = array<i32>} : memref<256x128xf32, #tpu.memory_space<vmem>>, vector<16xf32>,
        %swap3A_264 = arith.index_cast %and3A_246 : i32 to index
        %swap3A_265 = arith.constant 96 : index
        %swap3A_266 = tpu.vector_load %arg7[%swap3A_264, %swap3A_265] {strides = array<i32>} : memref<256x128xf32, #tpu.memory_space<vmem>>, vector<16xf32>,
        tpu.vector_store %arg7[%swap3A_264, %swap3A_265], %get3A_34 {strides = array<i32>} : memref<256x128xf32, #tpu.memory_space<vmem>>, vector<16xf32>,
        %swap3A_267 = arith.index_cast %and3A_246 : i32 to index
        %swap3A_268 = arith.constant 112 : index
        %swap3A_269 = tpu.vector_load %arg7[%swap3A_267, %swap3A_268] {strides = array<i32>} : memref<256x128xf32, #tpu.memory_space<vmem>>, vector<16xf32>,
        tpu.vector_store %arg7[%swap3A_267, %swap3A_268], %get3A_38 {strides = array<i32>} : memref<256x128xf32, #tpu.memory_space<vmem>>, vector<16xf32>,
        %add3A_270 = arith.constant 1 : i32
        %add3A_271 = vector.broadcast %add3A_270 : i32 to vector<16xi32>
        %add3A_272 = arith.addi %while3A_243, %add3A_271 : vector<16xi32>
        scf.yield %add3A_272 : vector<16xi32>
      }
      %while3A_208 = arith.constant 1 : i32
      %while3A_209 = scf.for %while3A_242 = %while3A_205 to %while3A_201 step %while3A_208 iter_args(%while3A_243 = %while3A_207) -> (vector<16xi32>)  : i32 {
        %gather3A = tpu.vector_load_idx %arg12[%while3A_243] : memref<8192xi32, #tpu.memory_space<vmem>>[vector<16xi32>], vector<16xi32>,
        %slice3A_244 = vector.extract_strided_slice %gather3A {offsets = [0], sizes = [1], strides = [1]} : vector<16xi32> to vector<1xi32>
        %squeeze3A_245 = vector.extract %slice3A_244[0] : i32 from vector<1xi32>
        %and3A = arith.constant 255 : i32
        %and3A_246 = arith.andi %squeeze3A_245, %and3A : i32
        %swap3A = arith.index_cast %and3A_246 : i32 to index
        %swap3A_247 = arith.constant 0 : index
        %swap3A_248 = tpu.vector_load %arg7[%swap3A, %swap3A_247] {strides = array<i32>} : memref<256x128xf32, #tpu.memory_space<vmem>>, vector<16xf32>,
        tpu.vector_store %arg7[%swap3A, %swap3A_247], %get3A_10 {strides = array<i32>} : memref<256x128xf32, #tpu.memory_space<vmem>>, vector<16xf32>,
        %swap3A_249 = arith.index_cast %and3A_246 : i32 to index
        %swap3A_250 = arith.constant 16 : index
        %swap3A_251 = tpu.vector_load %arg7[%swap3A_249, %swap3A_250] {strides = array<i32>} : memref<256x128xf32, #tpu.memory_space<vmem>>, vector<16xf32>,
        tpu.vector_store %arg7[%swap3A_249, %swap3A_250], %get3A_14 {strides = array<i32>} : memref<256x128xf32, #tpu.memory_space<vmem>>, vector<16xf32>,
        %swap3A_252 = arith.index_cast %and3A_246 : i32 to index
        %swap3A_253 = arith.constant 32 : index
        %swap3A_254 = tpu.vector_load %arg7[%swap3A_252, %swap3A_253] {strides = array<i32>} : memref<256x128xf32, #tpu.memory_space<vmem>>, vector<16xf32>,
        tpu.vector_store %arg7[%swap3A_252, %swap3A_253], %get3A_18 {strides = array<i32>} : memref<256x128xf32, #tpu.memory_space<vmem>>, vector<16xf32>,
        %swap3A_255 = arith.index_cast %and3A_246 : i32 to index
        %swap3A_256 = arith.constant 48 : index
        %swap3A_257 = tpu.vector_load %arg7[%swap3A_255, %swap3A_256] {strides = array<i32>} : memref<256x128xf32, #tpu.memory_space<vmem>>, vector<16xf32>,
        tpu.vector_store %arg7[%swap3A_255, %swap3A_256], %get3A_22 {strides = array<i32>} : memref<256x128xf32, #tpu.memory_space<vmem>>, vector<16xf32>,
        %swap3A_258 = arith.index_cast %and3A_246 : i32 to index
        %swap3A_259 = arith.constant 64 : index
        %swap3A_260 = tpu.vector_load %arg7[%swap3A_258, %swap3A_259] {strides = array<i32>} : memref<256x128xf32, #tpu.memory_space<vmem>>, vector<16xf32>,
        tpu.vector_store %arg7[%swap3A_258, %swap3A_259], %get3A_26 {strides = array<i32>} : memref<256x128xf32, #tpu.memory_space<vmem>>, vector<16xf32>,
        %swap3A_261 = arith.index_cast %and3A_246 : i32 to index
        %swap3A_262 = arith.constant 80 : index
        %swap3A_263 = tpu.vector_load %arg7[%swap3A_261, %swap3A_262] {strides = array<i32>} : memref<256x128xf32, #tpu.memory_space<vmem>>, vector<16xf32>,
        tpu.vector_store %arg7[%swap3A_261, %swap3A_262], %get3A_30 {strides = array<i32>} : memref<256x128xf32, #tpu.memory_space<vmem>>, vector<16xf32>,
        %swap3A_264 = arith.index_cast %and3A_246 : i32 to index
        %swap3A_265 = arith.constant 96 : index
        %swap3A_266 = tpu.vector_load %arg7[%swap3A_264, %swap3A_265] {strides = array<i32>} : memref<256x128xf32, #tpu.memory_space<vmem>>, vector<16xf32>,
        tpu.vector_store %arg7[%swap3A_264, %swap3A_265], %get3A_34 {strides = array<i32>} : memref<256x128xf32, #tpu.memory_space<vmem>>, vector<16xf32>,
        %swap3A_267 = arith.index_cast %and3A_246 : i32 to index
        %swap3A_268 = arith.constant 112 : index
        %swap3A_269 = tpu.vector_load %arg7[%swap3A_267, %swap3A_268] {strides = array<i32>} : memref<256x128xf32, #tpu.memory_space<vmem>>, vector<16xf32>,
        tpu.vector_store %arg7[%swap3A_267, %swap3A_268], %get3A_38 {strides = array<i32>} : memref<256x128xf32, #tpu.memory_space<vmem>>, vector<16xf32>,
        %add3A_270 = arith.constant 1 : i32
        %add3A_271 = vector.broadcast %add3A_270 : i32 to vector<16xi32>
        %add3A_272 = arith.addi %while3A_243, %add3A_271 : vector<16xi32>
        scf.yield %add3A_272 : vector<16xi32>
      }
      %while3A_210 = arith.constant 0 : i32
      %while3A_211 = arith.constant 0 : i32
      %while3A_212 = arith.subi %shift_right_logical3A_59, %while3A_210 : i32
      %while3A_213 = arith.addi %while3A_210, %while3A_212 : i32
      %while3A_214 = arith.constant 1 : i32
      %while3A_215 = arith.divsi %while3A_212, %while3A_214 : i32
      %while3A_216 = arith.muli %while3A_215, %while3A_214 : i32
      %while3A_217 = arith.addi %while3A_210, %while3A_216 : i32
      %while3A_218 = arith.constant 1 : i32
      %while3A_219:2 = scf.for %while3A_242 = %while3A_210 to %while3A_217 step %while3A_218 iter_args(%while3A_243 = %while3A_211, %while3A_244 = %iota3A) -> (i32, vector<16xi32>)  : i32 {
        %mul3A_245 = arith.constant 16 : i32
        %mul3A_246 = arith.muli %while3A_242, %mul3A_245 : i32
        %get3A_247 = arith.index_cast %mul3A_246 : i32 to index
        %get3A_248 = tpu.vector_load %arg10[%get3A_247] {strides = array<i32>} : memref<8192xi32, #tpu.memory_space<vmem>>, vector<16xi32>,
        %and3A = arith.constant 262143 : i32
        %and3A_249 = vector.broadcast %and3A : i32 to vector<16xi32>
        %and3A_250 = arith.andi %get3A_248, %and3A_249 : vector<16xi32>
        %sub3A = vector.broadcast %mul3A_2 : i32 to vector<16xi32>
        %sub3A_251 = arith.subi %and3A_250, %sub3A : vector<16xi32>
        %shift_right_logical3A_252 = arith.constant 8 : i32
        %shift_right_logical3A_253 = vector.broadcast %shift_right_logical3A_252 : i32 to vector<16xi32>
        %shift_right_logical3A_254 = arith.shrui %sub3A_251, %shift_right_logical3A_253 : vector<16xi32>
        %eq3A = arith.cmpi eq, %shift_right_logical3A_254, %add3A_149 : vector<16xi32>
        %lt3A = vector.broadcast %scan3A_55 : i32 to vector<16xi32>
        %lt3A_255 = arith.cmpi slt, %while3A_244, %lt3A : vector<16xi32>
        %and3A_256 = arith.andi %eq3A, %lt3A_255 : vector<16xi1>
        %convert_element_type3A = arith.extui %and3A_256 : vector<16xi1> to vector<16xi32>
        %broadcast_in_dim3A = arith.constant true
        %broadcast_in_dim3A_257 = vector.broadcast %broadcast_in_dim3A : i1 to vector<16xi1>
        %masked_cumsum3A = tpu.scan <sum>, %convert_element_type3A masked %broadcast_in_dim3A_257 : vector<16xi32>, vector<16xi1> -> vector<16xi32>
        %add3A_258 = vector.broadcast %while3A_243 : i32 to vector<16xi32>
        %add3A_259 = arith.addi %add3A_258, %masked_cumsum3A : vector<16xi32>
        %sub3A_260 = arith.constant 1 : i32
        %sub3A_261 = vector.broadcast %sub3A_260 : i32 to vector<16xi32>
        %sub3A_262 = arith.subi %add3A_259, %sub3A_261 : vector<16xi32>
        %max3A = arith.constant 0 : i32
        %max3A_263 = vector.broadcast %max3A : i32 to vector<16xi32>
        %max3A_264 = arith.maxsi %sub3A_262, %max3A_263 : vector<16xi32>
        tpu.vector_store_idx %arg12[%max3A_264], %get3A_248 masked %and3A_256 : memref<8192xi32, #tpu.memory_space<vmem>>[vector<16xi32>], vector<16xi32>, vector<16xi1>
        %slice3A_265 = vector.extract_strided_slice %masked_cumsum3A {offsets = [15], sizes = [1], strides = [1]} : vector<16xi32> to vector<1xi32>
        %squeeze3A_266 = vector.extract %slice3A_265[0] : i32 from vector<1xi32>
        %add3A_267 = arith.addi %while3A_243, %squeeze3A_266 : i32
        %add3A_268 = arith.constant 16 : i32
        %add3A_269 = vector.broadcast %add3A_268 : i32 to vector<16xi32>
        %add3A_270 = arith.addi %while3A_244, %add3A_269 : vector<16xi32>
        scf.yield %add3A_267, %add3A_270 : i32, vector<16xi32>
      }
      %while3A_220 = arith.constant 1 : i32
      %while3A_221:2 = scf.for %while3A_242 = %while3A_217 to %while3A_213 step %while3A_220 iter_args(%while3A_243 = %while3A_219#0, %while3A_244 = %while3A_219#1) -> (i32, vector<16xi32>)  : i32 {
        %mul3A_245 = arith.constant 16 : i32
        %mul3A_246 = arith.muli %while3A_242, %mul3A_245 : i32
        %get3A_247 = arith.index_cast %mul3A_246 : i32 to index
        %get3A_248 = tpu.vector_load %arg10[%get3A_247] {strides = array<i32>} : memref<8192xi32, #tpu.memory_space<vmem>>, vector<16xi32>,
        %and3A = arith.constant 262143 : i32
        %and3A_249 = vector.broadcast %and3A : i32 to vector<16xi32>
        %and3A_250 = arith.andi %get3A_248, %and3A_249 : vector<16xi32>
        %sub3A = vector.broadcast %mul3A_2 : i32 to vector<16xi32>
        %sub3A_251 = arith.subi %and3A_250, %sub3A : vector<16xi32>
        %shift_right_logical3A_252 = arith.constant 8 : i32
        %shift_right_logical3A_253 = vector.broadcast %shift_right_logical3A_252 : i32 to vector<16xi32>
        %shift_right_logical3A_254 = arith.shrui %sub3A_251, %shift_right_logical3A_253 : vector<16xi32>
        %eq3A = arith.cmpi eq, %shift_right_logical3A_254, %add3A_149 : vector<16xi32>
        %lt3A = vector.broadcast %scan3A_55 : i32 to vector<16xi32>
        %lt3A_255 = arith.cmpi slt, %while3A_244, %lt3A : vector<16xi32>
        %and3A_256 = arith.andi %eq3A, %lt3A_255 : vector<16xi1>
        %convert_element_type3A = arith.extui %and3A_256 : vector<16xi1> to vector<16xi32>
        %broadcast_in_dim3A = arith.constant true
        %broadcast_in_dim3A_257 = vector.broadcast %broadcast_in_dim3A : i1 to vector<16xi1>
        %masked_cumsum3A = tpu.scan <sum>, %convert_element_type3A masked %broadcast_in_dim3A_257 : vector<16xi32>, vector<16xi1> -> vector<16xi32>
        %add3A_258 = vector.broadcast %while3A_243 : i32 to vector<16xi32>
        %add3A_259 = arith.addi %add3A_258, %masked_cumsum3A : vector<16xi32>
        %sub3A_260 = arith.constant 1 : i32
        %sub3A_261 = vector.broadcast %sub3A_260 : i32 to vector<16xi32>
        %sub3A_262 = arith.subi %add3A_259, %sub3A_261 : vector<16xi32>
        %max3A = arith.constant 0 : i32
        %max3A_263 = vector.broadcast %max3A : i32 to vector<16xi32>
        %max3A_264 = arith.maxsi %sub3A_262, %max3A_263 : vector<16xi32>
        tpu.vector_store_idx %arg12[%max3A_264], %get3A_248 masked %and3A_256 : memref<8192xi32, #tpu.memory_space<vmem>>[vector<16xi32>], vector<16xi32>, vector<16xi1>
        %slice3A_265 = vector.extract_strided_slice %masked_cumsum3A {offsets = [15], sizes = [1], strides = [1]} : vector<16xi32> to vector<1xi32>
        %squeeze3A_266 = vector.extract %slice3A_265[0] : i32 from vector<1xi32>
        %add3A_267 = arith.addi %while3A_243, %squeeze3A_266 : i32
        %add3A_268 = arith.constant 16 : i32
        %add3A_269 = vector.broadcast %add3A_268 : i32 to vector<16xi32>
        %add3A_270 = arith.addi %while3A_244, %add3A_269 : vector<16xi32>
        scf.yield %add3A_267, %add3A_270 : i32, vector<16xi32>
      }
      %while3A_222 = arith.constant 0 : i32
      %while3A_223 = arith.subi %while3A_221#0, %while3A_222 : i32
      %while3A_224 = arith.addi %while3A_222, %while3A_223 : i32
      %while3A_225 = arith.constant 1 : i32
      %while3A_226 = arith.divsi %while3A_223, %while3A_225 : i32
      %while3A_227 = arith.muli %while3A_226, %while3A_225 : i32
      %while3A_228 = arith.addi %while3A_222, %while3A_227 : i32
      %while3A_229 = arith.constant 1 : i32
      %while3A_230 = scf.for %while3A_242 = %while3A_222 to %while3A_228 step %while3A_229 iter_args(%while3A_243 = %mul3A_7) -> (vector<16xi32>)  : i32 {
        %gather3A = tpu.vector_load_idx %arg12[%while3A_243] : memref<8192xi32, #tpu.memory_space<vmem>>[vector<16xi32>], vector<16xi32>,
        %slice3A_244 = vector.extract_strided_slice %gather3A {offsets = [0], sizes = [1], strides = [1]} : vector<16xi32> to vector<1xi32>
        %squeeze3A_245 = vector.extract %slice3A_244[0] : i32 from vector<1xi32>
        %and3A = arith.constant 255 : i32
        %and3A_246 = arith.andi %squeeze3A_245, %and3A : i32
        %shift_right_logical3A_247 = arith.constant 18 : i32
        %shift_right_logical3A_248 = arith.shrui %squeeze3A_245, %shift_right_logical3A_247 : i32
        %get3A_249 = arith.index_cast %shift_right_logical3A_248 : i32 to index
        %get3A_250 = arith.constant 0 : index
        %get3A_251 = tpu.vector_load %arg8[%get3A_249, %get3A_250] {strides = array<i32>} : memref<64x128xf32, #tpu.memory_space<vmem>>, vector<16xf32>,
        %swap3A = arith.index_cast %and3A_246 : i32 to index
        %swap3A_252 = arith.constant 0 : index
        %swap3A_253 = tpu.vector_load %arg7[%swap3A, %swap3A_252] {strides = array<i32>} : memref<256x128xf32, #tpu.memory_space<vmem>>, vector<16xf32>,
        tpu.vector_store %arg7[%swap3A, %swap3A_252], %get3A_251 {strides = array<i32>} : memref<256x128xf32, #tpu.memory_space<vmem>>, vector<16xf32>,
        %get3A_254 = arith.index_cast %shift_right_logical3A_248 : i32 to index
        %get3A_255 = arith.constant 16 : index
        %get3A_256 = tpu.vector_load %arg8[%get3A_254, %get3A_255] {strides = array<i32>} : memref<64x128xf32, #tpu.memory_space<vmem>>, vector<16xf32>,
        %swap3A_257 = arith.index_cast %and3A_246 : i32 to index
        %swap3A_258 = arith.constant 16 : index
        %swap3A_259 = tpu.vector_load %arg7[%swap3A_257, %swap3A_258] {strides = array<i32>} : memref<256x128xf32, #tpu.memory_space<vmem>>, vector<16xf32>,
        tpu.vector_store %arg7[%swap3A_257, %swap3A_258], %get3A_256 {strides = array<i32>} : memref<256x128xf32, #tpu.memory_space<vmem>>, vector<16xf32>,
        %get3A_260 = arith.index_cast %shift_right_logical3A_248 : i32 to index
        %get3A_261 = arith.constant 32 : index
        %get3A_262 = tpu.vector_load %arg8[%get3A_260, %get3A_261] {strides = array<i32>} : memref<64x128xf32, #tpu.memory_space<vmem>>, vector<16xf32>,
        %swap3A_263 = arith.index_cast %and3A_246 : i32 to index
        %swap3A_264 = arith.constant 32 : index
        %swap3A_265 = tpu.vector_load %arg7[%swap3A_263, %swap3A_264] {strides = array<i32>} : memref<256x128xf32, #tpu.memory_space<vmem>>, vector<16xf32>,
        tpu.vector_store %arg7[%swap3A_263, %swap3A_264], %get3A_262 {strides = array<i32>} : memref<256x128xf32, #tpu.memory_space<vmem>>, vector<16xf32>,
        %get3A_266 = arith.index_cast %shift_right_logical3A_248 : i32 to index
        %get3A_267 = arith.constant 48 : index
        %get3A_268 = tpu.vector_load %arg8[%get3A_266, %get3A_267] {strides = array<i32>} : memref<64x128xf32, #tpu.memory_space<vmem>>, vector<16xf32>,
        %swap3A_269 = arith.index_cast %and3A_246 : i32 to index
        %swap3A_270 = arith.constant 48 : index
        %swap3A_271 = tpu.vector_load %arg7[%swap3A_269, %swap3A_270] {strides = array<i32>} : memref<256x128xf32, #tpu.memory_space<vmem>>, vector<16xf32>,
        tpu.vector_store %arg7[%swap3A_269, %swap3A_270], %get3A_268 {strides = array<i32>} : memref<256x128xf32, #tpu.memory_space<vmem>>, vector<16xf32>,
        %get3A_272 = arith.index_cast %shift_right_logical3A_248 : i32 to index
        %get3A_273 = arith.constant 64 : index
        %get3A_274 = tpu.vector_load %arg8[%get3A_272, %get3A_273] {strides = array<i32>} : memref<64x128xf32, #tpu.memory_space<vmem>>, vector<16xf32>,
        %swap3A_275 = arith.index_cast %and3A_246 : i32 to index
        %swap3A_276 = arith.constant 64 : index
        %swap3A_277 = tpu.vector_load %arg7[%swap3A_275, %swap3A_276] {strides = array<i32>} : memref<256x128xf32, #tpu.memory_space<vmem>>, vector<16xf32>,
        tpu.vector_store %arg7[%swap3A_275, %swap3A_276], %get3A_274 {strides = array<i32>} : memref<256x128xf32, #tpu.memory_space<vmem>>, vector<16xf32>,
        %get3A_278 = arith.index_cast %shift_right_logical3A_248 : i32 to index
        %get3A_279 = arith.constant 80 : index
        %get3A_280 = tpu.vector_load %arg8[%get3A_278, %get3A_279] {strides = array<i32>} : memref<64x128xf32, #tpu.memory_space<vmem>>, vector<16xf32>,
        %swap3A_281 = arith.index_cast %and3A_246 : i32 to index
        %swap3A_282 = arith.constant 80 : index
        %swap3A_283 = tpu.vector_load %arg7[%swap3A_281, %swap3A_282] {strides = array<i32>} : memref<256x128xf32, #tpu.memory_space<vmem>>, vector<16xf32>,
        tpu.vector_store %arg7[%swap3A_281, %swap3A_282], %get3A_280 {strides = array<i32>} : memref<256x128xf32, #tpu.memory_space<vmem>>, vector<16xf32>,
        %get3A_284 = arith.index_cast %shift_right_logical3A_248 : i32 to index
        %get3A_285 = arith.constant 96 : index
        %get3A_286 = tpu.vector_load %arg8[%get3A_284, %get3A_285] {strides = array<i32>} : memref<64x128xf32, #tpu.memory_space<vmem>>, vector<16xf32>,
        %swap3A_287 = arith.index_cast %and3A_246 : i32 to index
        %swap3A_288 = arith.constant 96 : index
        %swap3A_289 = tpu.vector_load %arg7[%swap3A_287, %swap3A_288] {strides = array<i32>} : memref<256x128xf32, #tpu.memory_space<vmem>>, vector<16xf32>,
        tpu.vector_store %arg7[%swap3A_287, %swap3A_288], %get3A_286 {strides = array<i32>} : memref<256x128xf32, #tpu.memory_space<vmem>>, vector<16xf32>,
        %get3A_290 = arith.index_cast %shift_right_logical3A_248 : i32 to index
        %get3A_291 = arith.constant 112 : index
        %get3A_292 = tpu.vector_load %arg8[%get3A_290, %get3A_291] {strides = array<i32>} : memref<64x128xf32, #tpu.memory_space<vmem>>, vector<16xf32>,
        %swap3A_293 = arith.index_cast %and3A_246 : i32 to index
        %swap3A_294 = arith.constant 112 : index
        %swap3A_295 = tpu.vector_load %arg7[%swap3A_293, %swap3A_294] {strides = array<i32>} : memref<256x128xf32, #tpu.memory_space<vmem>>, vector<16xf32>,
        tpu.vector_store %arg7[%swap3A_293, %swap3A_294], %get3A_292 {strides = array<i32>} : memref<256x128xf32, #tpu.memory_space<vmem>>, vector<16xf32>,
        %add3A_296 = arith.constant 1 : i32
        %add3A_297 = vector.broadcast %add3A_296 : i32 to vector<16xi32>
        %add3A_298 = arith.addi %while3A_243, %add3A_297 : vector<16xi32>
        scf.yield %add3A_298 : vector<16xi32>
      }
      %while3A_231 = arith.constant 1 : i32
      %while3A_232 = scf.for %while3A_242 = %while3A_228 to %while3A_224 step %while3A_231 iter_args(%while3A_243 = %while3A_230) -> (vector<16xi32>)  : i32 {
        %gather3A = tpu.vector_load_idx %arg12[%while3A_243] : memref<8192xi32, #tpu.memory_space<vmem>>[vector<16xi32>], vector<16xi32>,
        %slice3A_244 = vector.extract_strided_slice %gather3A {offsets = [0], sizes = [1], strides = [1]} : vector<16xi32> to vector<1xi32>
        %squeeze3A_245 = vector.extract %slice3A_244[0] : i32 from vector<1xi32>
        %and3A = arith.constant 255 : i32
        %and3A_246 = arith.andi %squeeze3A_245, %and3A : i32
        %shift_right_logical3A_247 = arith.constant 18 : i32
        %shift_right_logical3A_248 = arith.shrui %squeeze3A_245, %shift_right_logical3A_247 : i32
        %get3A_249 = arith.index_cast %shift_right_logical3A_248 : i32 to index
        %get3A_250 = arith.constant 0 : index
        %get3A_251 = tpu.vector_load %arg8[%get3A_249, %get3A_250] {strides = array<i32>} : memref<64x128xf32, #tpu.memory_space<vmem>>, vector<16xf32>,
        %swap3A = arith.index_cast %and3A_246 : i32 to index
        %swap3A_252 = arith.constant 0 : index
        %swap3A_253 = tpu.vector_load %arg7[%swap3A, %swap3A_252] {strides = array<i32>} : memref<256x128xf32, #tpu.memory_space<vmem>>, vector<16xf32>,
        tpu.vector_store %arg7[%swap3A, %swap3A_252], %get3A_251 {strides = array<i32>} : memref<256x128xf32, #tpu.memory_space<vmem>>, vector<16xf32>,
        %get3A_254 = arith.index_cast %shift_right_logical3A_248 : i32 to index
        %get3A_255 = arith.constant 16 : index
        %get3A_256 = tpu.vector_load %arg8[%get3A_254, %get3A_255] {strides = array<i32>} : memref<64x128xf32, #tpu.memory_space<vmem>>, vector<16xf32>,
        %swap3A_257 = arith.index_cast %and3A_246 : i32 to index
        %swap3A_258 = arith.constant 16 : index
        %swap3A_259 = tpu.vector_load %arg7[%swap3A_257, %swap3A_258] {strides = array<i32>} : memref<256x128xf32, #tpu.memory_space<vmem>>, vector<16xf32>,
        tpu.vector_store %arg7[%swap3A_257, %swap3A_258], %get3A_256 {strides = array<i32>} : memref<256x128xf32, #tpu.memory_space<vmem>>, vector<16xf32>,
        %get3A_260 = arith.index_cast %shift_right_logical3A_248 : i32 to index
        %get3A_261 = arith.constant 32 : index
        %get3A_262 = tpu.vector_load %arg8[%get3A_260, %get3A_261] {strides = array<i32>} : memref<64x128xf32, #tpu.memory_space<vmem>>, vector<16xf32>,
        %swap3A_263 = arith.index_cast %and3A_246 : i32 to index
        %swap3A_264 = arith.constant 32 : index
        %swap3A_265 = tpu.vector_load %arg7[%swap3A_263, %swap3A_264] {strides = array<i32>} : memref<256x128xf32, #tpu.memory_space<vmem>>, vector<16xf32>,
        tpu.vector_store %arg7[%swap3A_263, %swap3A_264], %get3A_262 {strides = array<i32>} : memref<256x128xf32, #tpu.memory_space<vmem>>, vector<16xf32>,
        %get3A_266 = arith.index_cast %shift_right_logical3A_248 : i32 to index
        %get3A_267 = arith.constant 48 : index
        %get3A_268 = tpu.vector_load %arg8[%get3A_266, %get3A_267] {strides = array<i32>} : memref<64x128xf32, #tpu.memory_space<vmem>>, vector<16xf32>,
        %swap3A_269 = arith.index_cast %and3A_246 : i32 to index
        %swap3A_270 = arith.constant 48 : index
        %swap3A_271 = tpu.vector_load %arg7[%swap3A_269, %swap3A_270] {strides = array<i32>} : memref<256x128xf32, #tpu.memory_space<vmem>>, vector<16xf32>,
        tpu.vector_store %arg7[%swap3A_269, %swap3A_270], %get3A_268 {strides = array<i32>} : memref<256x128xf32, #tpu.memory_space<vmem>>, vector<16xf32>,
        %get3A_272 = arith.index_cast %shift_right_logical3A_248 : i32 to index
        %get3A_273 = arith.constant 64 : index
        %get3A_274 = tpu.vector_load %arg8[%get3A_272, %get3A_273] {strides = array<i32>} : memref<64x128xf32, #tpu.memory_space<vmem>>, vector<16xf32>,
        %swap3A_275 = arith.index_cast %and3A_246 : i32 to index
        %swap3A_276 = arith.constant 64 : index
        %swap3A_277 = tpu.vector_load %arg7[%swap3A_275, %swap3A_276] {strides = array<i32>} : memref<256x128xf32, #tpu.memory_space<vmem>>, vector<16xf32>,
        tpu.vector_store %arg7[%swap3A_275, %swap3A_276], %get3A_274 {strides = array<i32>} : memref<256x128xf32, #tpu.memory_space<vmem>>, vector<16xf32>,
        %get3A_278 = arith.index_cast %shift_right_logical3A_248 : i32 to index
        %get3A_279 = arith.constant 80 : index
        %get3A_280 = tpu.vector_load %arg8[%get3A_278, %get3A_279] {strides = array<i32>} : memref<64x128xf32, #tpu.memory_space<vmem>>, vector<16xf32>,
        %swap3A_281 = arith.index_cast %and3A_246 : i32 to index
        %swap3A_282 = arith.constant 80 : index
        %swap3A_283 = tpu.vector_load %arg7[%swap3A_281, %swap3A_282] {strides = array<i32>} : memref<256x128xf32, #tpu.memory_space<vmem>>, vector<16xf32>,
        tpu.vector_store %arg7[%swap3A_281, %swap3A_282], %get3A_280 {strides = array<i32>} : memref<256x128xf32, #tpu.memory_space<vmem>>, vector<16xf32>,
        %get3A_284 = arith.index_cast %shift_right_logical3A_248 : i32 to index
        %get3A_285 = arith.constant 96 : index
        %get3A_286 = tpu.vector_load %arg8[%get3A_284, %get3A_285] {strides = array<i32>} : memref<64x128xf32, #tpu.memory_space<vmem>>, vector<16xf32>,
        %swap3A_287 = arith.index_cast %and3A_246 : i32 to index
        %swap3A_288 = arith.constant 96 : index
        %swap3A_289 = tpu.vector_load %arg7[%swap3A_287, %swap3A_288] {strides = array<i32>} : memref<256x128xf32, #tpu.memory_space<vmem>>, vector<16xf32>,
        tpu.vector_store %arg7[%swap3A_287, %swap3A_288], %get3A_286 {strides = array<i32>} : memref<256x128xf32, #tpu.memory_space<vmem>>, vector<16xf32>,
        %get3A_290 = arith.index_cast %shift_right_logical3A_248 : i32 to index
        %get3A_291 = arith.constant 112 : index
        %get3A_292 = tpu.vector_load %arg8[%get3A_290, %get3A_291] {strides = array<i32>} : memref<64x128xf32, #tpu.memory_space<vmem>>, vector<16xf32>,
        %swap3A_293 = arith.index_cast %and3A_246 : i32 to index
        %swap3A_294 = arith.constant 112 : index
        %swap3A_295 = tpu.vector_load %arg7[%swap3A_293, %swap3A_294] {strides = array<i32>} : memref<256x128xf32, #tpu.memory_space<vmem>>, vector<16xf32>,
        tpu.vector_store %arg7[%swap3A_293, %swap3A_294], %get3A_292 {strides = array<i32>} : memref<256x128xf32, #tpu.memory_space<vmem>>, vector<16xf32>,
        %add3A_296 = arith.constant 1 : i32
        %add3A_297 = vector.broadcast %add3A_296 : i32 to vector<16xi32>
        %add3A_298 = arith.addi %while3A_243, %add3A_297 : vector<16xi32>
        scf.yield %add3A_298 : vector<16xi32>
      }
      %slice3A_233 = vector.extract_strided_slice %add3A_149 {offsets = [0], sizes = [1], strides = [1]} : vector<16xi32> to vector<1xi32>
      %squeeze3A_234 = vector.extract %slice3A_233[0] : i32 from vector<1xi32>
      %mul3A_235 = arith.constant 256 : i32
      %mul3A_236 = arith.muli %squeeze3A_234, %mul3A_235 : i32
      %add3A_237 = arith.addi %mul3A_2, %mul3A_236 : i32
      %dma_start3A_238 = arith.constant 0 : i32
      %dma_start3A_239 = tpu.memref_slice %arg5[%add3A_237, %dma_start3A_238] : memref<262144x128xf32, #tpu.memory_space<hbm>> -> memref<256x128xf32, #tpu.memory_space<hbm>>
      %dma_start3A_240 = arith.constant 0 : i32
      %dma_start3A_241 = tpu.memref_slice %arg5[%add3A_237, %dma_start3A_240] : memref<262144x128xf32, #tpu.memory_space<hbm>> -> memref<256x128xf32, #tpu.memory_space<hbm>>
      tpu.enqueue_dma source(%arg7 : memref<256x128xf32, #tpu.memory_space<vmem>>) target(%dma_start3A_241 : memref<256x128xf32, #tpu.memory_space<hbm>>) target_semaphore(%arg14 : memref<!tpu.dma_semaphore, #tpu.memory_space<semaphore_mem>>)
      scf.yield %while3A_176#0, %while3A_221#0, %add3A_146, %add3A_149 : i32, i32, vector<16xi32>, vector<16xi32>
    }
    %scan3A_131 = arith.constant 15 : i32
    %dma_wait3A = arith.constant 0 : i32
    %dma_wait3A_132 = tpu.memref_slice %arg5[%mul3A_2, %dma_wait3A] : memref<262144x128xf32, #tpu.memory_space<hbm>> -> memref<256x128xf32, #tpu.memory_space<hbm>>
    %dma_wait3A_133 = arith.constant 0 : i32
    %dma_wait3A_134 = tpu.memref_slice %arg5[%mul3A_2, %dma_wait3A_133] : memref<262144x128xf32, #tpu.memory_space<hbm>> -> memref<256x128xf32, #tpu.memory_space<hbm>>
    tpu.wait_dma2 semaphore(%arg13 : memref<!tpu.dma_semaphore, #tpu.memory_space<semaphore_mem>>) src(%arg6 : memref<256x128xf32, #tpu.memory_space<vmem>>) dst(%dma_wait3A_134 : memref<256x128xf32, #tpu.memory_space<hbm>>)
    %dma_wait3A_135 = arith.constant 0 : i32
    %dma_wait3A_136 = tpu.memref_slice %arg5[%mul3A_2, %dma_wait3A_135] : memref<262144x128xf32, #tpu.memory_space<hbm>> -> memref<256x128xf32, #tpu.memory_space<hbm>>
    %dma_wait3A_137 = arith.constant 0 : i32
    %dma_wait3A_138 = tpu.memref_slice %arg5[%mul3A_2, %dma_wait3A_137] : memref<262144x128xf32, #tpu.memory_space<hbm>> -> memref<256x128xf32, #tpu.memory_space<hbm>>
    tpu.wait_dma2 semaphore(%arg14 : memref<!tpu.dma_semaphore, #tpu.memory_space<semaphore_mem>>) src(%arg7 : memref<256x128xf32, #tpu.memory_space<vmem>>) dst(%dma_wait3A_138 : memref<256x128xf32, #tpu.memory_space<hbm>>)
    return
  }
}

module attributes {stable_mosaic.version = 14 : i64} {
  func.func @_prep_body(%arg0: memref<1xi32, #tpu.memory_space<smem>>, %arg1: memref<2x8192xi32, #tpu.memory_space<vmem>>, %arg2: memref<8192x3xi32, #tpu.memory_space<vmem>>, %arg3: memref<5x128xf32, #tpu.memory_space<vmem>>, %arg4: memref<6x128xf32, #tpu.memory_space<vmem>>, %arg5: memref<2x128xf32, #tpu.memory_space<vmem>>, %arg6: memref<64x128xf32, #tpu.memory_space<vmem>>, %arg7: memref<8192xi32, #tpu.memory_space<vmem>>) attributes {dimension_semantics = [], scalar_prefetch = 0 : i64, scratch_operands = 0 : i64, tpu.core_type = #tpu.core_type<tc>} {
    %iota3A = tpu.iota {dimensions = array<i32: 0>} : vector<64x1xi32>
    %iota3A_0 = tpu.iota {dimensions = array<i32: 1>} : vector<64x5xi32>
    %iota3A_1 = tpu.iota {dimensions = array<i32: 1>} : vector<64x6xi32>
    %iota3A_2 = tpu.iota {dimensions = array<i32: 1>} : vector<64x2xi32>
    %jit3A = arith.constant 12 : i32
    %div3A = vector.broadcast %jit3A : i32 to vector<64x1xi32>
    %div3A_3 = arith.divsi %iota3A, %div3A : vector<64x1xi32>
    %sign3A = arith.constant 0 : i32
    %sign3A_4 = vector.broadcast %sign3A : i32 to vector<64x1xi32>
    %sign3A_5 = arith.cmpi sgt, %iota3A, %sign3A_4 : vector<64x1xi32>
    %sign3A_6 = arith.extui %sign3A_5 : vector<64x1xi1> to vector<64x1xi32>
    %sign3A_7 = arith.constant 0 : i32
    %sign3A_8 = vector.broadcast %sign3A_7 : i32 to vector<64x1xi32>
    %sign3A_9 = arith.cmpi slt, %iota3A, %sign3A_8 : vector<64x1xi32>
    %sign3A_10 = arith.extui %sign3A_9 : vector<64x1xi1> to vector<64x1xi32>
    %sign3A_11 = arith.subi %sign3A_6, %sign3A_10 : vector<64x1xi32>
    %sign3A_12 = arith.constant 0 : i32
    %sign3A_13 = arith.cmpi sgt, %jit3A, %sign3A_12 : i32
    %sign3A_14 = arith.extui %sign3A_13 : i1 to i32
    %sign3A_15 = arith.constant 0 : i32
    %sign3A_16 = arith.cmpi slt, %jit3A, %sign3A_15 : i32
    %sign3A_17 = arith.extui %sign3A_16 : i1 to i32
    %sign3A_18 = arith.subi %sign3A_14, %sign3A_17 : i32
    %ne3A = vector.broadcast %sign3A_18 : i32 to vector<64x1xi32>
    %ne3A_19 = arith.cmpi ne, %sign3A_11, %ne3A : vector<64x1xi32>
    %rem3A = vector.broadcast %jit3A : i32 to vector<64x1xi32>
    %rem3A_20 = arith.remsi %iota3A, %rem3A : vector<64x1xi32>
    %ne3A_21 = arith.constant 0 : i32
    %ne3A_22 = vector.broadcast %ne3A_21 : i32 to vector<64x1xi32>
    %ne3A_23 = arith.cmpi ne, %rem3A_20, %ne3A_22 : vector<64x1xi32>
    %and3A = arith.andi %ne3A_19, %ne3A_23 : vector<64x1xi1>
    %sub3A = arith.constant 1 : i32
    %sub3A_24 = vector.broadcast %sub3A : i32 to vector<64x1xi32>
    %sub3A_25 = arith.subi %div3A_3, %sub3A_24 : vector<64x1xi32>
    %select_n3A = arith.select %and3A, %sub3A_25, %div3A_3 : vector<64x1xi1>, vector<64x1xi32>
    %eq3A = vector.broadcast %select_n3A : vector<64x1xi32> to vector<64x5xi32>
    %eq3A_26 = arith.cmpi eq, %iota3A_0, %eq3A : vector<64x5xi32>
    %convert_element_type3A = arith.extui %eq3A_26 : vector<64x5xi1> to vector<64x5xi32>
    %convert_element_type3A_27 = arith.sitofp %convert_element_type3A : vector<64x5xi32> to vector<64x5xf32>
    %jit3A_28 = arith.constant 2 : i32
    %div3A_29 = vector.broadcast %jit3A_28 : i32 to vector<64x1xi32>
    %div3A_30 = arith.divsi %iota3A, %div3A_29 : vector<64x1xi32>
    %sign3A_31 = arith.constant 0 : i32
    %sign3A_32 = vector.broadcast %sign3A_31 : i32 to vector<64x1xi32>
    %sign3A_33 = arith.cmpi sgt, %iota3A, %sign3A_32 : vector<64x1xi32>
    %sign3A_34 = arith.extui %sign3A_33 : vector<64x1xi1> to vector<64x1xi32>
    %sign3A_35 = arith.constant 0 : i32
    %sign3A_36 = vector.broadcast %sign3A_35 : i32 to vector<64x1xi32>
    %sign3A_37 = arith.cmpi slt, %iota3A, %sign3A_36 : vector<64x1xi32>
    %sign3A_38 = arith.extui %sign3A_37 : vector<64x1xi1> to vector<64x1xi32>
    %sign3A_39 = arith.subi %sign3A_34, %sign3A_38 : vector<64x1xi32>
    %sign3A_40 = arith.constant 0 : i32
    %sign3A_41 = arith.cmpi sgt, %jit3A_28, %sign3A_40 : i32
    %sign3A_42 = arith.extui %sign3A_41 : i1 to i32
    %sign3A_43 = arith.constant 0 : i32
    %sign3A_44 = arith.cmpi slt, %jit3A_28, %sign3A_43 : i32
    %sign3A_45 = arith.extui %sign3A_44 : i1 to i32
    %sign3A_46 = arith.subi %sign3A_42, %sign3A_45 : i32
    %ne3A_47 = vector.broadcast %sign3A_46 : i32 to vector<64x1xi32>
    %ne3A_48 = arith.cmpi ne, %sign3A_39, %ne3A_47 : vector<64x1xi32>
    %rem3A_49 = vector.broadcast %jit3A_28 : i32 to vector<64x1xi32>
    %rem3A_50 = arith.remsi %iota3A, %rem3A_49 : vector<64x1xi32>
    %ne3A_51 = arith.constant 0 : i32
    %ne3A_52 = vector.broadcast %ne3A_51 : i32 to vector<64x1xi32>
    %ne3A_53 = arith.cmpi ne, %rem3A_50, %ne3A_52 : vector<64x1xi32>
    %and3A_54 = arith.andi %ne3A_48, %ne3A_53 : vector<64x1xi1>
    %sub3A_55 = arith.constant 1 : i32
    %sub3A_56 = vector.broadcast %sub3A_55 : i32 to vector<64x1xi32>
    %sub3A_57 = arith.subi %div3A_30, %sub3A_56 : vector<64x1xi32>
    %select_n3A_58 = arith.select %and3A_54, %sub3A_57, %div3A_30 : vector<64x1xi1>, vector<64x1xi32>
    %jit3A_59 = arith.constant 6 : i32
    %eq3A_60 = arith.constant 0 : i32
    %eq3A_61 = arith.cmpi eq, %jit3A_59, %eq3A_60 : i32
    %jit3A_62 = arith.constant 1 : i32
    %select_n3A_63 = arith.select %eq3A_61, %jit3A_62, %jit3A_59 : i32
    %rem3A_64 = vector.broadcast %select_n3A_63 : i32 to vector<64x1xi32>
    %rem3A_65 = arith.remsi %select_n3A_58, %rem3A_64 : vector<64x1xi32>
    %ne3A_66 = arith.constant 0 : i32
    %ne3A_67 = vector.broadcast %ne3A_66 : i32 to vector<64x1xi32>
    %ne3A_68 = arith.cmpi ne, %rem3A_65, %ne3A_67 : vector<64x1xi32>
    %lt3A = arith.constant 0 : i32
    %lt3A_69 = vector.broadcast %lt3A : i32 to vector<64x1xi32>
    %lt3A_70 = arith.cmpi slt, %rem3A_65, %lt3A_69 : vector<64x1xi32>
    %lt3A_71 = arith.constant 0 : i32
    %lt3A_72 = arith.cmpi slt, %select_n3A_63, %lt3A_71 : i32
    %ne3A_73 = vector.broadcast %lt3A_72 : i1 to vector<64x1xi1>
    %ne3A_74 = vector.broadcast %ne3A_73 : vector<64x1xi1> to vector<64x1xi1>
    %ne3A_75 = arith.xori %lt3A_70, %ne3A_74 : vector<64x1xi1>
    %and3A_76 = arith.andi %ne3A_75, %ne3A_68 : vector<64x1xi1>
    %add3A = vector.broadcast %select_n3A_63 : i32 to vector<64x1xi32>
    %add3A_77 = arith.addi %rem3A_65, %add3A : vector<64x1xi32>
    %select_n3A_78 = arith.select %and3A_76, %add3A_77, %rem3A_65 : vector<64x1xi1>, vector<64x1xi32>
    %eq3A_79 = vector.broadcast %select_n3A_78 : vector<64x1xi32> to vector<64x6xi32>
    %eq3A_80 = arith.cmpi eq, %iota3A_1, %eq3A_79 : vector<64x6xi32>
    %convert_element_type3A_81 = arith.extui %eq3A_80 : vector<64x6xi1> to vector<64x6xi32>
    %convert_element_type3A_82 = arith.sitofp %convert_element_type3A_81 : vector<64x6xi32> to vector<64x6xf32>
    %jit3A_83 = arith.constant 2 : i32
    %eq3A_84 = arith.constant 0 : i32
    %eq3A_85 = arith.cmpi eq, %jit3A_83, %eq3A_84 : i32
    %jit3A_86 = arith.constant 1 : i32
    %select_n3A_87 = arith.select %eq3A_85, %jit3A_86, %jit3A_83 : i32
    %rem3A_88 = vector.broadcast %select_n3A_87 : i32 to vector<64x1xi32>
    %rem3A_89 = arith.remsi %iota3A, %rem3A_88 : vector<64x1xi32>
    %ne3A_90 = arith.constant 0 : i32
    %ne3A_91 = vector.broadcast %ne3A_90 : i32 to vector<64x1xi32>
    %ne3A_92 = arith.cmpi ne, %rem3A_89, %ne3A_91 : vector<64x1xi32>
    %lt3A_93 = arith.constant 0 : i32
    %lt3A_94 = vector.broadcast %lt3A_93 : i32 to vector<64x1xi32>
    %lt3A_95 = arith.cmpi slt, %rem3A_89, %lt3A_94 : vector<64x1xi32>
    %lt3A_96 = arith.constant 0 : i32
    %lt3A_97 = arith.cmpi slt, %select_n3A_87, %lt3A_96 : i32
    %ne3A_98 = vector.broadcast %lt3A_97 : i1 to vector<64x1xi1>
    %ne3A_99 = vector.broadcast %ne3A_98 : vector<64x1xi1> to vector<64x1xi1>
    %ne3A_100 = arith.xori %lt3A_95, %ne3A_99 : vector<64x1xi1>
    %and3A_101 = arith.andi %ne3A_100, %ne3A_92 : vector<64x1xi1>
    %add3A_102 = vector.broadcast %select_n3A_87 : i32 to vector<64x1xi32>
    %add3A_103 = arith.addi %rem3A_89, %add3A_102 : vector<64x1xi32>
    %select_n3A_104 = arith.select %and3A_101, %add3A_103, %rem3A_89 : vector<64x1xi1>, vector<64x1xi32>
    %eq3A_105 = vector.broadcast %select_n3A_104 : vector<64x1xi32> to vector<64x2xi32>
    %eq3A_106 = arith.cmpi eq, %iota3A_2, %eq3A_105 : vector<64x2xi32>
    %convert_element_type3A_107 = arith.extui %eq3A_106 : vector<64x2xi1> to vector<64x2xi32>
    %convert_element_type3A_108 = arith.sitofp %convert_element_type3A_107 : vector<64x2xi32> to vector<64x2xf32>
    %get3A = arith.constant 0 : index
    %get3A_109 = arith.constant 0 : index
    %get3A_110 = vector.load %arg3[%get3A, %get3A_109] : memref<5x128xf32, #tpu.memory_space<vmem>>, vector<5x128xf32>
    %dot_general3A = arith.constant dense<0.000000e+00> : vector<64x128xf32>
    %dot_general3A_111 = tpu.matmul %convert_element_type3A_27, %get3A_110, %dot_general3A {dimension_numbers = #tpu.dot_dimension_numbers<[1], [0], [0], [1], [0, 0, 1, 1], [], []>, precision = #tpu.contract_precision<fp32>, transpose_lhs_hint = false} : vector<64x5xf32>, vector<5x128xf32>, vector<64x128xf32> -> vector<64x128xf32>
    %get3A_112 = arith.constant 0 : index
    %get3A_113 = arith.constant 0 : index
    %get3A_114 = vector.load %arg4[%get3A_112, %get3A_113] : memref<6x128xf32, #tpu.memory_space<vmem>>, vector<6x128xf32>
    %dot_general3A_115 = arith.constant dense<0.000000e+00> : vector<64x128xf32>
    %dot_general3A_116 = tpu.matmul %convert_element_type3A_82, %get3A_114, %dot_general3A_115 {dimension_numbers = #tpu.dot_dimension_numbers<[1], [0], [0], [1], [0, 0, 1, 1], [], []>, precision = #tpu.contract_precision<fp32>, transpose_lhs_hint = false} : vector<64x6xf32>, vector<6x128xf32>, vector<64x128xf32> -> vector<64x128xf32>
    %add3A_117 = arith.addf %dot_general3A_111, %dot_general3A_116 : vector<64x128xf32>
    %get3A_118 = arith.constant 0 : index
    %get3A_119 = arith.constant 0 : index
    %get3A_120 = vector.load %arg5[%get3A_118, %get3A_119] : memref<2x128xf32, #tpu.memory_space<vmem>>, vector<2x128xf32>
    %dot_general3A_121 = arith.constant dense<0.000000e+00> : vector<64x128xf32>
    %dot_general3A_122 = tpu.matmul %convert_element_type3A_108, %get3A_120, %dot_general3A_121 {dimension_numbers = #tpu.dot_dimension_numbers<[1], [0], [0], [1], [0, 0, 1, 1], [], []>, precision = #tpu.contract_precision<fp32>, transpose_lhs_hint = false} : vector<64x2xf32>, vector<2x128xf32>, vector<64x128xf32> -> vector<64x128xf32>
    %add3A_123 = arith.addf %add3A_117, %dot_general3A_122 : vector<64x128xf32>
    %swap3A = arith.constant 0 : index
    %swap3A_124 = arith.constant 0 : index
    %swap3A_125 = vector.load %arg6[%swap3A, %swap3A_124] : memref<64x128xf32, #tpu.memory_space<vmem>>, vector<64x128xf32>
    tpu.vector_store %arg6[%swap3A, %swap3A_124], %add3A_123 {strides = array<i32>} : memref<64x128xf32, #tpu.memory_space<vmem>>, vector<64x128xf32>,
    %get3A_126 = arith.constant 0 : index
    %get3A_127 = memref.load %arg0[%get3A_126] : memref<1xi32, #tpu.memory_space<smem>>
    %sub3A_128 = arith.constant 512 : i32
    %sub3A_129 = arith.subi %get3A_127, %sub3A_128 : i32
    %get3A_130 = arith.constant 0 : index
    %get3A_131 = arith.constant 0 : index
    %get3A_132 = vector.load %arg1[%get3A_130, %get3A_131] : memref<2x8192xi32, #tpu.memory_space<vmem>>, vector<1x8192xi32>
    %get3A_133 = vector.shape_cast %get3A_132 : vector<1x8192xi32> to vector<8192xi32>
    %add3A_134 = vector.broadcast %sub3A_129 : i32 to vector<8192xi32>
    %add3A_135 = arith.addi %get3A_133, %add3A_134 : vector<8192xi32>
    %get3A_136 = arith.constant 1 : index
    %get3A_137 = arith.constant 0 : index
    %get3A_138 = vector.load %arg1[%get3A_136, %get3A_137] : memref<2x8192xi32, #tpu.memory_space<vmem>>, vector<1x8192xi32>
    %get3A_139 = vector.shape_cast %get3A_138 : vector<1x8192xi32> to vector<8192xi32>
    %add3A_140 = vector.broadcast %sub3A_129 : i32 to vector<8192xi32>
    %add3A_141 = arith.addi %get3A_139, %add3A_140 : vector<8192xi32>
    %get3A_142 = arith.constant 0 : index
    %get3A_143 = arith.constant 0 : index
    %get3A_144 = vector.load %arg2[%get3A_142, %get3A_143] : memref<8192x3xi32, #tpu.memory_space<vmem>>, vector<8192x3xi32>
    %slice3A = vector.extract_strided_slice %get3A_144 {offsets = [0, 0], sizes = [8192, 1], strides = [1, 1]} : vector<8192x3xi32> to vector<8192x1xi32>
    %squeeze3A = vector.shape_cast %slice3A : vector<8192x1xi32> to vector<8192xi32>
    %mul3A = arith.constant 12 : i32
    %mul3A_145 = vector.broadcast %mul3A : i32 to vector<8192xi32>
    %mul3A_146 = arith.muli %squeeze3A, %mul3A_145 : vector<8192xi32>
    %slice3A_147 = vector.extract_strided_slice %get3A_144 {offsets = [0, 1], sizes = [8192, 1], strides = [1, 1]} : vector<8192x3xi32> to vector<8192x1xi32>
    %squeeze3A_148 = vector.shape_cast %slice3A_147 : vector<8192x1xi32> to vector<8192xi32>
    %mul3A_149 = arith.constant 2 : i32
    %mul3A_150 = vector.broadcast %mul3A_149 : i32 to vector<8192xi32>
    %mul3A_151 = arith.muli %squeeze3A_148, %mul3A_150 : vector<8192xi32>
    %add3A_152 = arith.addi %mul3A_146, %mul3A_151 : vector<8192xi32>
    %slice3A_153 = vector.extract_strided_slice %get3A_144 {offsets = [0, 2], sizes = [8192, 1], strides = [1, 1]} : vector<8192x3xi32> to vector<8192x1xi32>
    %squeeze3A_154 = vector.shape_cast %slice3A_153 : vector<8192x1xi32> to vector<8192xi32>
    %add3A_155 = arith.addi %add3A_152, %squeeze3A_154 : vector<8192xi32>
    %mul3A_156 = arith.constant 512 : i32
    %mul3A_157 = vector.broadcast %mul3A_156 : i32 to vector<8192xi32>
    %mul3A_158 = arith.muli %add3A_135, %mul3A_157 : vector<8192xi32>
    %add3A_159 = arith.addi %mul3A_158, %add3A_141 : vector<8192xi32>
    %shift_left3A = arith.constant 18 : i32
    %shift_left3A_160 = vector.broadcast %shift_left3A : i32 to vector<8192xi32>
    %shift_left3A_161 = arith.shli %add3A_155, %shift_left3A_160 : vector<8192xi32>
    %or3A = arith.ori %add3A_159, %shift_left3A_161 : vector<8192xi32>
    %swap3A_162 = arith.constant 0 : index
    %swap3A_163 = vector.load %arg7[%swap3A_162] : memref<8192xi32, #tpu.memory_space<vmem>>, vector<8192xi32>
    tpu.vector_store %arg7[%swap3A_162], %or3A {strides = array<i32>} : memref<8192xi32, #tpu.memory_space<vmem>>, vector<8192xi32>,
    return
  }
}

</mosaic_0001>

<sc_bundles>
// kernel: kernel.4.cloned.1.call-start
scs
__scs_entry_jumppad:
0x0: {  	(pc) =	sbr.rel $0x88, $3  }
0x1: {  	(tag) =	ssettag $0x0;
	lr =	simm.s32 $0x1  }
0x2: {  	[smem:$0x3F9A] =	sst lr;
	_ =	strace $0xD0000000  }
0x3: {  	_ = 	snop  }
0x4: {  	_ = 	snop  }
0x5: {  	_ = 	snop  }
0x6: {  	_ = 	snop  }
0x7: {  	_ = 	snop  }
__scs_overlays_trampoline_lowered:
0x8: {  	[smem:$0x3FA9] =	sst s0  }
0x9: {  	[smem:$0x3FAA] =	sst s1  }
0xa: {  	[smem:$0x3FAB] =	sst s2  }
0xb: {  	[smem:$0x3FAC] =	sst s3  }
0xc: {  	[smem:$0x3FAD] =	sst s4  }
0xd: {  	[smem:$0x3FAE] =	sst s5  }
0xe: {  	[smem:$0x3FAF] =	sst s6  }
0xf: {  	[smem:$0x3FB0] =	sst s7  }
0x10: {  	[smem:$0x3FB1] =	sst s8  }
0x11: {  	[smem:$0x3FB2] =	sst s9;
	s0 =	simm.s32 @!p0 $0x0  }
0x12: {  	s1 =	sld [smem:$0x3F98];
	s0 =	simm.s32 @p0 $0x1  }
0x13: {  	[smem:$0x3FB3] =	sst s0;
	s0 =	simm.s32 @!p1 $0x0  }
0x14: {  	s2 =	sld [smem:$0x3F97];
	s0 =	simm.s32 @p1 $0x1  }
0x15: {  	[smem:$0x3FB4] =	sst s0;
	s0 =	simm.s32 @!p2 $0x0  }
0x16: {  	s3 =	sld [smem:$0x3FDB];
	s0 =	simm.s32 @p2 $0x1  }
0x17: {  	s4 =	simm.s32 $0x1BF5;
	[smem:$0x3FB6] =	sst s0  }
0x18: {  	s0 =	sld [smem:$0x3F99];
	_ =	swait.ge [sflag:s4], $0x0  }
0x19: {  	s7 =	sld [smem:$0x3F9A]  }
0x1a: {  	s8 =	sadd.s32 $0xFFFFE003, lr  }
0x1b: {  	s9 =	sadd.s32 $0xFFFFFEF7, lr;
	s5 =	simm.s32 $0xFFFFFFFF;
	p2 =	slt.u32 s8, $0xFFFFF086  }
0x1c: {  	p1 =	slt.u32 s9, $0xF7A;
	s5 =	simm.s32 @!p2 $0x0  }
0x1d: {  	s5 =	simm.s32 @p1 $0x1;
	p0 =	seq.s32 s7, s2  }
0x1e: {  	s7 =	smul.u32 @!p0 $0xF7A, s2;
	p2 =	seq.s32 @!p0 s5, $0x0  }
0x1f: {  	s9 =	smul.u32 $0xF7A, s1;
	s8 =	simm.s32 @!p0 $0x1BF5;
	p2 =	por !p2, p0  }
0x20: {  	[sflag:s8] =	ssyncset.s32 @!p0 $0xFFFFF086;
	s6 =	sadd.s32 @!p0 s3, s7;
	s7 =	simm.s32 @!p0 $0x108  }
0x21: {  	s3 =	sadd.s32 s3, s9;
	s6 =	sadd.s32 @!p0 $0x88, s6;
	s7 =	simm.s32 @p2 $0x1082  }
0x22: {  	[simem:s7], [sflag:s8] =	dma.local @!p0 [hbm:s6], $0xF7A  }
0x23: {  	s9 =	sor.u32 $0xD0000000, s2;
	s6 =	simm.s32 $0x108;
	_ =	swait.ge @!p0 [sflag:s8], $0x0  }
0x24: {  	s3 =	sadd.s32 $0x88, s3;
	s6 =	simm.s32 @!p1 $0x1082;
	[sflag:s4] =	ssyncset.s32 $0xFFFFF086  }
0x25: {  	[simem:s6], [sflag:s4] =	dma.local [hbm:s3], $0xF7A  }
0x26: {  	[smem:$0x3F9A] =	sst s1;
	(tag) =	ssettag s2;
	_ =	strace s9  }
0x27: {  	s1 =	sld [smem:$0x3FAA]  }
0x28: {  	s2 =	sld [smem:$0x3FAB]  }
0x29: {  	s4 =	sld [smem:$0x3FAD]  }
0x2a: {  	p0 =	seq.s32 s5, $0x0;
	s5 =	sld [smem:$0x3FAE]  }
0x2b: {  	s6 =	sld [smem:$0x3FAF]  }
0x2c: {  	s7 =	sld [smem:$0x3FB0]  }
0x2d: {  	s3 =	simm.s32 $0x108;
	s8 =	sld [smem:$0x3FB1]  }
0x2e: {  	s3 =	simm.s32 @!p0 $0x1082;
	s9 =	sld [smem:$0x3FB2]  }
0x2f: {  	lr =	sadd.s32 s0, s3;
	s0 =	sld [smem:$0x3FA9]  }
0x30: {  	s3 =	sld [smem:$0x3FAC]  }
0x31: {  	[smem:$0x3FB5] =	sst s10  }
0x32: {  	s10 =	sld [smem:$0x3FB3];
	_ =	sdelay $0x3  }
0x33: {  	p0 =	seq.s32 s10, $0x1;
	s10 =	sld [smem:$0x3FB5];
	_ =	sdelay $0x3  }
0x34: {  	[smem:$0x3FB5] =	sst s10  }
0x35: {  	s10 =	sld [smem:$0x3FB4];
	_ =	sdelay $0x3  }
0x36: {  	p1 =	seq.s32 s10, $0x1;
	s10 =	sld [smem:$0x3FB5];
	_ =	sdelay $0x3  }
0x37: {  	[smem:$0x3FB5] =	sst s10  }
0x38: {  	s10 =	sld [smem:$0x3FB6]  }
0x39: {  	_ = 	snop;
	(pc) =	sbr.ind lr, $3  }
0x3a: {  	_ = 	snop  }
0x3b: {  	_ = 	snop  }
0x3c: {  	p2 =	seq.s32 s10, $0x1;
	s10 =	sld [smem:$0x3FB5]  }
0x3d: {  	_ =	shalt  }
0x3e: {  	_ =	shalt  }
0x3f: {  	_ =	shalt  }
0x40: {  	_ =	shalt  }
0x41: {  	_ =	shalt  }
0x42: {  	_ =	shalt  }
0x43: {  	_ =	shalt  }
0x44: {  	_ =	shalt  }
0x45: {  	_ =	shalt  }
0x46: {  	_ =	shalt  }
0x47: {  	_ =	shalt  }
0x48: {  	_ =	shalt  }
0x49: {  	_ =	shalt  }
0x4a: {  	_ =	shalt  }
0x4b: {  	_ =	shalt  }
0x4c: {  	_ =	shalt  }
0x4d: {  	_ =	shalt  }
0x4e: {  	_ =	shalt  }
0x4f: {  	_ =	shalt  }
0x50: {  	_ =	shalt  }
0x51: {  	_ =	shalt  }
0x52: {  	_ =	shalt  }
0x53: {  	_ =	shalt  }
0x54: {  	_ =	shalt  }
0x55: {  	_ =	shalt  }
0x56: {  	_ =	shalt  }
0x57: {  	_ =	shalt  }
0x58: {  	_ =	shalt  }
0x59: {  	_ =	shalt  }
0x5a: {  	_ =	shalt  }
0x5b: {  	_ =	shalt  }
0x5c: {  	_ =	shalt  }
0x5d: {  	_ =	shalt  }
0x5e: {  	_ =	shalt  }
0x5f: {  	_ =	shalt  }
0x60: {  	_ =	shalt  }
0x61: {  	_ =	shalt  }
0x62: {  	_ =	shalt  }
0x63: {  	_ =	shalt  }
0x64: {  	_ =	shalt  }
0x65: {  	_ =	shalt  }
0x66: {  	_ =	shalt  }
0x67: {  	_ =	shalt  }
0x68: {  	_ =	shalt  }
0x69: {  	_ =	shalt  }
0x6a: {  	_ =	shalt  }
0x6b: {  	_ =	shalt  }
0x6c: {  	_ =	shalt  }
0x6d: {  	_ =	shalt  }
0x6e: {  	_ =	shalt  }
0x6f: {  	_ =	shalt  }
0x70: {  	_ =	shalt  }
0x71: {  	_ =	shalt  }
0x72: {  	_ =	shalt  }
0x73: {  	_ =	shalt  }
0x74: {  	_ =	shalt  }
0x75: {  	_ =	shalt  }
0x76: {  	_ =	shalt  }
0x77: {  	_ =	shalt  }
0x78: {  	_ =	shalt  }
0x79: {  	_ =	shalt  }
0x7a: {  	_ =	shalt  }
0x7b: {  	_ =	shalt  }
0x7c: {  	_ =	shalt  }
0x7d: {  	_ =	shalt  }
0x7e: {  	_ =	shalt  }
0x7f: {  	_ =	shalt  }
0x80: {  	_ =	shalt  }
0x81: {  	_ =	shalt  }
0x82: {  	_ =	shalt  }
0x83: {  	_ =	shalt  }
0x84: {  	_ =	shalt  }
0x85: {  	_ =	shalt  }
0x86: {  	_ =	shalt  }
0x87: {  	_ =	shalt  }
.Lfunc_end0:
.L_simem_size_0:
called_computation_lowered:
.L_overlay_start_0:
0x88: {  	s2 =	sld [smem:$0x3FD9]  }
0x89: {  	s3 =	sld [smem:$0x3FFE];
	_ =	sdelay $0x1  }
0x8a: {  	s1 =	srdreg.scid  }
0x8b: {  	s0 =	sand.u32 $0x1, s1  }
0x8c: {  	s17 =	sshll.u32 s0, $0xA;
	s2 =	sadd.s32 s3, s2  }
0x8d: {  	s2 =	sadd.s32 s2, s17  }
0x8e: {  	[smem:$0x3FC1] =	sst s2  }
0x8f: {  	_ = 	snop  }
0x90: {  	s2 =	sld [smem:$0x3FC6]  }
0x91: {  	s18 =	sld [smem:$0x3FD0];
	(tm) =	ssettm $0x1  }
0x92: {  	s4 =	sld [smem:$0x3FFB];
	_ =	sdelay $0x3  }
0x93: {  	_ =	strace s4  }
0x94: {  	s4 =	sld [smem:$0x3FFC];
	_ =	sdelay $0x3  }
0x95: {  	_ =	strace s4  }
0x96: {  	s4 =	sld [smem:$0x3FFD];
	_ =	sdelay $0x3  }
0x97: {  	_ =	strace s4  }
0x98: {  	_ =	strace $0x8FFFFFFF  }
0x99: {  	s19 =	sld [smem:$0x3FDB];
	_ =	sdelay $0x1  }
0x9a: {  	s5 =	simm.s32 $_scs_section_size  }
0x9b: {  	s6 =	simm.s32 $_size__tile_overlayer_lowered;
	s7 =	simm.s32 $_tile_overlayer_lowered  }
0x9c: {  	s22 =	simm.s32 $0x1BFF;
	s21 =	sshll.u32 s7, $0x1;
	s4 =	sadd.s32 s5, s19  }
0x9d: {  	s8 =	simm.s32 $0x0;
	s20 =	sshll.u32 s6, $0x1;
	s6 =	sadd.s32 s21, s4  }
0x9e: {  	[timem:s8], [sflag:s22] =	dma.local [hbm:s6], s20  }
0x9f: {  	_ =	swait.ge [sflag:s22], s20  }
0xa0: {  	s5 =	ssub.s32 $0x0, s20;
	[sflag:s22] =	ssyncset.done $0x0  }
0xa1: {  	[sflag:s22] =	ssyncadd.s32 s5;
	_ =	sdelay $0x1  }
0xa2: {  	s23 =	simm.s32 $0x1B8B  }
0xa3: {  	_ =	swait.ge [sflag:s23], $0x1  }
0xa4: {  	[sflag:s23] =	ssyncset.done $0x0  }
0xa5: {  	s25 =	simm.s32 $0x1B8E;
	s24 =	sld [smem:$0x3FFE];
	[sflag:s23] =	ssyncadd.s32 $0xFFFFFFFF  }
0xa6: {  	s26 =	simm.s32 $execute0_lowered;
	[smem:$0x3FD2] =	sst s25  }
0xa7: {  	s6 =	sshll.u32 s26, $0x1;
	_ =	strace $0x80000046;
	[dreg:$0x1] =	wrdreg $0xFFFFFFFF  }
0xa8: {  	s28 =	simm.s32 $_size_execute0_lowered;
	s4 =	sadd.s32 s4, s6;
	[dreg:$0x0] =	wrdreg $0x0  }
0xa9: {  	s6 =	sshll.u32 s28, $0x1;
	[dreg:$0x2] =	wrdreg s4  }
0xaa: {  	[dreg:$0x3] =	wrdreg s6  }
0xab: {  	[dreg:$0x4] =	wrdreg $0xC0  }
0xac: {  	_ =	task [dreg:s8], $0x5FFFF  }
0xad: {  	[dreg:$0x1] =	wrdreg $0xFFFFFFFF  }
0xae: {  	[dreg:$0x0] =	wrdreg $0x60  }
0xaf: {  	[dreg:$0x2] =	wrdreg s24  }
0xb0: {  	[dreg:$0x3] =	wrdreg s2  }
0xb1: {  	[dreg:$0x4] =	wrdreg s18  }
0xb2: {  	[dreg:$0x5] =	wrdreg $0x9  }
0xb3: {  	_ =	task.clear_ibuf [dreg:s8], $0x6FFFF;
	_ =	strace $0x90000046  }
0xb4: {  	s29 =	simm.s32 $0x9;
	_ =	strace $0x80000048  }
0xb5: {  	_ =	swait.ge [sflag:s29], $0x1  }
0xb6: {  	[sflag:s29] =	ssyncadd.s32 $0xFFFFFFFF  }
0xb7: {  	_ =	strace $0x90000048  }
0xb8: {  	_ =	sfence  }
0xb9: {  	s30 =	sld [smem:$0x0];
	_ =	sdelay $0x2  }
0xba: {  	s31 =	sshll.u32 s1, $0xD;
	s1 =	sshrl.u32 s1, $0x2  }
0xbb: {  	s3 =	sand.u32 $0x4000, s31;
	s1 =	sadd.s32 s1, s30  }
0xbc: {  	s0 =	sor.u32 s3, s0;
	s1 =	sshll.u32 s1, $0x11  }
0xbd: {  	s0 =	sor.u32 s1, s0  }
0xbe: {  	s0 =	sadd.s32 $0x8F2B, s0  }
0xbf: {  	[sflag:s0] =	ssyncadd.remote.s32 $0x1  }
0xc0: {  	_ =	sfence.sel $0xFFFF  }
0xc1: {  	[dreg:$0x0] =	wrdreg $0xFFFFFFFF;
	(pc) =	sbr.abs _section_cstart, $3  }
0xc2: {  	[dreg:$0x1] =	wrdreg $0xFFFFFFFF  }
0xc3: {  	_ =	task.clear_ibuf [dreg:s8], $0x2FFFF;
	_ =	strace $0x9FFFFFFF  }
0xc4: {  	(tm) =	ssettm $0x7FFFFFFF  }
0xc5: {  	_ =	shalt  }
tec
execute0_lowered:
.L_overlay_start_1:
0x0: {  	(tag) =	ssettag $0x1  }
0x1: {  	s6 =	rddreg [dreg:$0x0]  }
0x2: {  	s1 =	rddreg [dreg:$0x1]  }
0x3: {  	s3 =	rddreg [dreg:$0x2]  }
0x4: {  	s0 =	rddreg [dreg:$0x3];
	s5 =	srdreg.scid  }
0x5: {  	s4 =	simm.s32 $0x0;
	s2 =	stileid.u32;
	s11 =	simm.s32 $0x3  }
0x6: {  	s12 =	simm.s32 $0x10000;
	s13 =	simm.s32 $0x12000;
	s14 =	simm.s32 $0x14000  }
0x7: {  	s15 =	simm.s32 $0x8000;
	s16 =	simm.s32 $0x1;
	s17 =	simm.s32 $0x16000  }
0x8: {  	s20 =	simm.s32 $0x0;
	s7 =	sand.u32 $0x1, s5;
	[smem:$0x7FF] =	sst s4  }
0x9: {  	s8 =	sshll.u32 s2, $0xD;
	s5 =	sshll.u32 s7, $0x11;
	_ =	strace $0x80000047  }
.Ltmp0:
0xa: {  	s30 =	ssub.s32 $0x2, s7;
	s18 =	sor.u32 s8, s5;
	(pc) =	sbr.rel .LBB2_1-.Ltmp0, $4  }
0xb: {  	s5 =	sadd.s32 $0x1200, s6;
	s6 =	sadd.s32 $0x1600, s6;
	s9 =	sshrl.u32 s30, $0x1  }
0xc: {  	s31 =	sshll.u32 s18, $0x4;
	s10 =	ssub.s32 s30, s9;
	s19 =	sadd.s32 $0x2000, s18  }
0xd: {  	s9 =	sshll.u32 s18, $0x7;
	v0 =	vmov s18;
	s18 =	simm.s32 $0x2;
	s7 =	sadd.s32 s3, s31  }
0xe: {  	v2 =	vimm.s32 $0x0;
	s10 =	smax.u32 s10, $0x1;
	v1 =	vmov s19;
	s19 =	simm.s32 $0x18000;
	s8 =	sadd.s32 $0x1000, s7  }
.LBB2_57:
0xf: {  	s20 =	sadd.s32 $0x1, s20  }
0x10: {  	_ =	swait.ge [sflag:s16], $0x8000;
	p0 =	sne.s32 s20, s10  }
.Ltmp1:
0x11: {  	[sflag:s16] =	ssyncset.done $0x0;
	(pc) =	sbr.rel @!p0 .LBB2_58-.Ltmp1, $4  }
0x12: {  	[sflag:s16] =	ssyncadd.s32 $0xFFFF8000  }
0x13: {  	_ =	swait.ge [sflag:s18], $0x8000  }
0x14: {  	[sflag:s18] =	ssyncset.done $0x0  }
0x15: {  	[sflag:s18] =	ssyncadd.s32 $0xFFFF8000  }
.LBB2_1:
0x16: {  	[tilespmem:s4], [sflag:$0x3] =	stream.linear.gather [hbm4b:s1+s4], $0x80, $0x38;
	[tilespmem:$0x1A000] =	vst v63  }
0x17: {  	_ =	swait.ge [sflag:s11], $0x80  }
0x18: {  	[sflag:s11] =	ssyncset.done $0x0  }
0x19: {  	[sflag:s11] =	ssyncadd.s32 $0xFFFFFF80  }
0x1a: {  	v3 =	vld [tilespmem:$0x0]  }
0x1b: {  	v4 =	vld [tilespmem:$0x10]  }
0x1c: {  	v5 =	vld [tilespmem:$0x20]  }
0x1d: {  	v10 =	vld [tilespmem:$0x70]  }
0x1e: {  	v6 =	vld [tilespmem:$0x30]  }
0x1f: {  	v7 =	vld [tilespmem:$0x40]  }
0x20: {  	v8 =	vld [tilespmem:$0x50]  }
0x21: {  	s21 =	simm.s32 $0x0;
	s22 =	simm.s32 $0x200;
	v9 =	vld [tilespmem:$0x60]  }
.LBB2_2:
0x22: {  	p0 =	sne.s32 s22, $0x1FC00;
	[tilespmem:s21+$0xF0] =	vst v10  }
0x23: {  	[tilespmem:s21+$0x80] =	vst v3  }
0x24: {  	[tilespmem:s21+$0x90] =	vst v4  }
.Ltmp2:
0x25: {  	[tilespmem:s21+$0xA0] =	vst v5;
	(pc) =	sbr.rel @p0 .LBB2_2-.Ltmp2, $4  }
0x26: {  	[tilespmem:s21+$0xB0] =	vst v6  }
0x27: {  	[tilespmem:s21+$0xC0] =	vst v7  }
0x28: {  	[tilespmem:s21+$0xD0] =	vst v8  }
0x29: {  	[tilespmem:s21+$0xE0] =	vst v9;
	s21 =	sshra.s32 s22, $0x2;
	s22 =	sadd.s32 $0x200, s22  }
0x2a: {  	[tilespmem:s21+$0xF0] =	vst v10  }
0x2b: {  	[tilespmem:s21+$0x80] =	vst v3  }
0x2c: {  	[tilespmem:s21+$0x90] =	vst v4  }
0x2d: {  	[tilespmem:s21+$0xA0] =	vst v5  }
0x2e: {  	[tilespmem:s21+$0xB0] =	vst v6  }
0x2f: {  	[tilespmem:s21+$0xC0] =	vst v7  }
0x30: {  	[tilespmem:s21+$0xD0] =	vst v8  }
0x31: {  	[tilespmem:s21+$0xE0] =	vst v9;
	s21 =	simm.s32 $0x0;
	s22 =	simm.s32 $0x200  }
.LBB2_4:
0x32: {  	p0 =	sne.s32 s22, $0x1FE00;
	[tilespmem:s21+$0x8070] =	vst v10  }
0x33: {  	[tilespmem:s21+$0x8000] =	vst v3  }
0x34: {  	[tilespmem:s21+$0x8010] =	vst v4  }
.Ltmp3:
0x35: {  	[tilespmem:s21+$0x8020] =	vst v5;
	(pc) =	sbr.rel @p0 .LBB2_4-.Ltmp3, $4  }
0x36: {  	[tilespmem:s21+$0x8030] =	vst v6  }
0x37: {  	[tilespmem:s21+$0x8040] =	vst v7  }
0x38: {  	[tilespmem:s21+$0x8050] =	vst v8  }
0x39: {  	[tilespmem:s21+$0x8060] =	vst v9;
	s21 =	sshra.s32 s22, $0x2;
	s22 =	sadd.s32 $0x200, s22  }
0x3a: {  	[tilespmem:s21+$0x8070] =	vst v10  }
0x3b: {  	[tilespmem:s21+$0x8000] =	vst v3  }
0x3c: {  	[tilespmem:s21+$0x8010] =	vst v4  }
0x3d: {  	[tilespmem:s21+$0x8020] =	vst v5  }
0x3e: {  	[tilespmem:s21+$0x8030] =	vst v6  }
0x3f: {  	[tilespmem:s21+$0x8040] =	vst v7  }
0x40: {  	[tilespmem:s21+$0x8050] =	vst v8  }
0x41: {  	[tilespmem:s21+$0x8060] =	vst v9;
	s21 =	simm.s32 $0x0  }
0x42: {  	[tilespmem:s12], [sflag:$0x3] =	stream.linear.gather [hbm4b:s6+s21], $0x2000, $0x38;
	[tilespmem:$0x1A000] =	vst v63  }
0x43: {  	_ =	swait.ge [sflag:s11], $0x2000  }
0x44: {  	[sflag:s11] =	ssyncset.done $0x0  }
0x45: {  	[sflag:s11] =	ssyncadd.s32 $0xFFFFE000  }
0x46: {  	[tilespmem:s13], [sflag:$0x3] =	stream.linear.gather [hbm4b:s5+s21], $0x2000, $0x38;
	[tilespmem:$0x1A000] =	vst v63  }
0x47: {  	_ =	swait.ge [sflag:s11], $0x2000  }
0x48: {  	[sflag:s11] =	ssyncset.done $0x0  }
0x49: {  	s22 =	simm.s32 $0x0;
	[sflag:s11] =	ssyncadd.s32 $0xFFFFE000  }
0x4a: {  	v11 =	vld [tilespmem:s22+$0x12000];
	_ =	sdelay $0x4  }
0x4b: {  	v12 =	vand.u32 $0x3FFFF, v11  }
0x4c: {  	vm0 =	vge.u32 v12, v0;
	vm1 =	vlt.u32 v12, v1  }
0x4d: {  	vm0 =	vmand vm0, vm1  }
0x4e: {  	v62 =	vsel vm0, $0x1, v2  }
0x4f: {  	(xrf0) =	vadd.scan.msk.s32 $0xffff, v62;
	_ =	sdelay $0x2  }
0x50: {  	v63 =	vmov s21  }
0x51: {  	v12 =	vadd.s32 $0xFFFFFFFF, v63  }
0x52: {  	v12 =	vbroadcast v12, $0x0  }
0x53: {  	v13, _, _ =	vpop (xrf0)  }
0x54: {  	v12 =	vadd.s32 v13, v12;
	(v2sf) =	vpush v13, $0xF  }
0x55: {  	vm15 =	vgt.s32 v12, $0x0  }
0x56: {  	v12 =	vnsel vm15, $0x0, v12;
	_ =	sdelay $0x4  }
0x57: {  	s23 =	simm.s32 $0x10;
	s22 =	simm.s32 $0x80;
	[tilespmem:v12+s14+$0x0] =	vst.idx.msk vm0, v11  }
.LBB2_6:
0x58: {  	p0 =	sne.s32 s22, $0x7FC0;
	v11 =	vld [tilespmem:s23+$0x12000];
	_ =	sdelay $0x4  }
0x59: {  	v12 =	vand.u32 $0x3FFFF, v11  }
0x5a: {  	vm0 =	vge.u32 v12, v0;
	vm1 =	vlt.u32 v12, v1  }
0x5b: {  	vm0 =	vmand vm0, vm1;
	s23 =	spop (v2sf)  }
0x5c: {  	v12 =	vsel vm0, $0x1, v2;
	s21 =	sadd.s32 s21, s23  }
0x5d: {  	v13 =	vmov s21;
	(xrf0) =	vadd.scan.msk.s32 $0xffff, v12  }
0x5e: {  	v12 =	vadd.s32 $0xFFFFFFFF, v13  }
0x5f: {  	v12 =	vbroadcast v12, $0x0;
	_ =	sdelay $0x3  }
0x60: {  	v13, _, _ =	vpop (xrf0)  }
0x61: {  	v12 =	vadd.s32 v13, v12;
	(v2sf) =	vpush v13, $0xF  }
0x62: {  	vm1 =	vgt.s32 v12, $0x0  }
0x63: {  	v12 =	vnsel vm1, $0x0, v12  }
.Ltmp4:
0x64: {  	(pc) =	sbr.rel @p0 .LBB2_6-.Ltmp4, $2  }
0x65: {  	_ =	sdelay $0x2  }
0x66: {  	s23 =	sshra.s32 s22, $0x2;
	s22 =	sadd.s32 $0x40, s22;
	[tilespmem:v12+s14+$0x0] =	vst.idx.msk vm0, v11  }
0x67: {  	v11 =	vld [tilespmem:s23+$0x12000];
	_ =	sdelay $0x4  }
0x68: {  	v12 =	vand.u32 $0x3FFFF, v11  }
0x69: {  	vm0 =	vge.u32 v12, v0;
	vm1 =	vlt.u32 v12, v1  }
0x6a: {  	vm0 =	vmand vm0, vm1  }
0x6b: {  	v63 =	vsel vm0, $0x1, v2  }
0x6c: {  	(xrf0) =	vadd.scan.msk.s32 $0xffff, v63;
	_ =	sdelay $0x5  }
0x6d: {  	v12, _, _ =	vpop (xrf0)  }
0x6e: {  	(v2sf) =	vpush v12, $0xF;
	_ =	sdelay $0xa  }
0x6f: {  	s22 =	spop (v2sf)  }
0x70: {  	s21 =	sadd.s32 s21, s22  }
0x71: {  	v13 =	vmov s21  }
0x72: {  	v13 =	vadd.s32 $0xFFFFFFFF, v13  }
0x73: {  	v13 =	vbroadcast v13, $0x0;
	s31 =	spop (v2sf)  }
0x74: {  	s24 =	sadd.s32 s21, s31  }
0x75: {  	v12 =	vadd.s32 v12, v13;
	s21 =	sadd.s32 $0xF, s24  }
0x76: {  	vm15 =	vgt.s32 v12, $0x0;
	s21 =	sshrl.u32 s21, $0x4  }
0x77: {  	v12 =	vnsel vm15, $0x0, v12;
	p0 =	seq.s32 s21, $0x0  }
.Ltmp5:
0x78: {  	_ = 	snop;
	(pc) =	sbr.rel @p0 .LBB2_14-.Ltmp5, $2  }
0x79: {  	_ =	sdelay $0x2  }
0x7a: {  	s23 =	simm.s32 $0x0;
	s22 =	simm.s32 $0x0;
	[tilespmem:v12+s14+$0x0] =	vst.idx.msk vm0, v11  }
0x7b: {  	p2 =	seq.s32 s21, $0x1  }
.Ltmp6:
0x7c: {  	_ = 	snop;
	(pc) =	sbr.rel @p2 .LBB2_9-.Ltmp6, $3  }
0x7d: {  	_ =	sdelay $0x1  }
0x7e: {  	s22 =	simm.s32 $0x14000  }
0x7f: {  	v12 =	vmov s24;
	s25 =	simm.s32 $0x0;
	v13 =	vlaneseq.u32;
	p1 =	por $0x0, $0x0;
	v11 =	vld [tilespmem:s22+$0x0];
	s22 =	sadd.s32 $0xFFFFFFFF, s21  }
0x80: {  	_ =	sdelay $0x3  }
0x81: {  	v14 =	vand.u32 $0x3FF00, v11  }
0x82: {  	vm1 =	vlt.s32 v13, v12;
	vm0 =	veq.s32 v14, v0  }
0x83: {  	vm0 =	vmand vm1, vm0  }
0x84: {  	v14 =	vsel vm0, $0x1, v2  }
0x85: {  	(xrf0) =	vadd.scan.msk.s32 $0xffff, v14;
	_ =	sdelay $0x2  }
0x86: {  	v14 =	vmov s25  }
0x87: {  	v14 =	vadd.s32 $0xFFFFFFFF, v14  }
0x88: {  	v14 =	vbroadcast v14, $0x0  }
0x89: {  	v15, _, _ =	vpop (xrf0)  }
0x8a: {  	v14 =	vadd.s32 v15, v14;
	(v2sf) =	vpush v15, $0xF  }
0x8b: {  	vm15 =	vgt.s32 v14, $0x0  }
0x8c: {  	v14 =	vnsel vm15, $0x0, v14  }
0x8d: {  	p2 =	seq.s32 s22, $0x1  }
.Ltmp7:
0x8e: {  	_ = 	snop;
	(pc) =	sbr.rel @p2 .LBB2_18-.Ltmp7, $3  }
0x8f: {  	_ =	sdelay $0x1  }
0x90: {  	s26 =	simm.s32 $0x14010;
	[tilespmem:v14+s17+$0x0] =	vst.idx.msk vm0, v11  }
0x91: {  	s28 =	sadd.s32 $0xFFFFFFFF, s22;
	p1 =	por $0x1, $0x1;
	s22 =	simm.s32 $0x0;
	v14 =	vlaneseq.u32;
	v11 =	vld [tilespmem:s26+$0x0]  }
.LBB2_19:
0x92: {  	p2 =	seq.s32 s28, $0x1;
	_ =	sdelay $0x3  }
0x93: {  	v14 =	vadd.s32 $0x10, v14;
	v15 =	vand.u32 $0x3FF00, v11  }
0x94: {  	vm1 =	vlt.s32 v14, v12;
	vm0 =	veq.s32 v15, v0  }
0x95: {  	vm0 =	vmand vm1, vm0;
	s29 =	spop (v2sf)  }
0x96: {  	v15 =	vsel vm0, $0x1, v2;
	s22 =	sadd.s32 s22, s29  }
0x97: {  	v16 =	vmov s22;
	(xrf0) =	vadd.scan.msk.s32 $0xffff, v15  }
0x98: {  	v15 =	vadd.s32 $0xFFFFFFFF, v16  }
0x99: {  	v15 =	vbroadcast v15, $0x0;
	_ =	sdelay $0x3  }
0x9a: {  	v16, _, _ =	vpop (xrf0)  }
0x9b: {  	v15 =	vadd.s32 v16, v15;
	(v2sf) =	vpush v16, $0xF  }
0x9c: {  	vm1 =	vgt.s32 v15, $0x0  }
0x9d: {  	v15 =	vnsel vm1, $0x0, v15;
	_ =	sdelay $0x1  }
.Ltmp8:
0x9e: {  	(pc) =	sbr.rel @!p2 .LBB2_19-.Ltmp8, $3  }
0x9f: {  	_ =	sdelay $0x1  }
0xa0: {  	s26 =	sadd.s32 $0x10, s26;
	[tilespmem:v15+s17+$0x0] =	vst.idx.msk vm0, v11  }
0xa1: {  	s28 =	sadd.s32 $0xFFFFFFFF, s28;
	v11 =	vld [tilespmem:s26+$0x0]  }
.LBB2_20:
0xa2: {  	_ =	sdelay $0x2  }
0xa3: {  	v14 =	vadd.s32 @p1 $0x10, v14  }
0xa4: {  	v13 =	vpsel p1, v14, v13;
	v15 =	vand.u32 $0x3FF00, v11  }
0xa5: {  	vm1 =	vlt.s32 v13, v12;
	vm0 =	veq.s32 v15, v0  }
0xa6: {  	vm0 =	vmand vm1, vm0  }
0xa7: {  	v62 =	vsel vm0, $0x1, v2  }
0xa8: {  	(xrf0) =	vadd.scan.msk.s32 $0xffff, v62;
	_ =	sdelay $0x5  }
0xa9: {  	v12, _, _ =	vpop (xrf0)  }
0xaa: {  	(v2sf) =	vpush v12, $0xF;
	_ =	sdelay $0x1  }
0xab: {  	s26 =	spop @p1 (v2sf)  }
0xac: {  	s22 =	sadd.s32 @p1 s22, s26  }
0xad: {  	s25 =	smov.u32 @p1 s22  }
0xae: {  	v63 =	vmov s25  }
0xaf: {  	v13 =	vadd.s32 $0xFFFFFFFF, v63  }
0xb0: {  	v13 =	vbroadcast v13, $0x0;
	_ =	sdelay $0x1  }
0xb1: {  	v12 =	vadd.s32 v12, v13  }
0xb2: {  	vm15 =	vgt.s32 v12, $0x0  }
0xb3: {  	v12 =	vnsel vm15, $0x0, v12;
	_ =	sdelay $0x3  }
0xb4: {  	s26 =	spop (v2sf)  }
0xb5: {  	[tilespmem:v12+s17+$0x0] =	vst.idx.msk vm0, v11;
	s22 =	sadd.s32 s25, s26  }
0xb6: {  	p1 =	slt.s32 s22, $0x1  }
.Ltmp9:
0xb7: {  	_ = 	snop;
	(pc) =	sbr.rel @p1 .LBB2_14-.Ltmp9, $1  }
0xb8: {  	_ =	sdelay $0x3  }
0xb9: {  	s25 =	sadd.s32 s25, s26  }
0xba: {  	v11 =	vimm.s32 $0x0;
	p1 =	sne.s32 s25, $0x1  }
.Ltmp10:
0xbb: {  	_ = 	snop;
	(pc) =	sbr.rel @!p1 .LBB2_13-.Ltmp10, $2  }
0xbc: {  	_ =	sdelay $0x2  }
0xbd: {  	s25 =	sadd.s32 $0xFFFFFFFF, s25;
	v12 =	vld.idx.msk [tilespmem:v11+s17+$0x0], $0xffff  }
.LBB2_12:
0xbe: {  	p1 =	sne.s32 s25, $0x1;
	_ =	sdelay $0x4  }
0xbf: {  	(v2sf) =	vpush v12, $0x0;
	_ =	sdelay $0xe  }
0xc0: {  	s26 =	spop (v2sf)  }
0xc1: {  	s28 =	sshrl.u32 s26, $0xB  }
0xc2: {  	s28 =	sand.u32 $0x1FFF80, s28  }
0xc3: {  	v12 =	vld [tilespmem:s28+$0x10000];
	_ =	sdelay $0x2  }
0xc4: {  	s26 =	sshll.u32 s26, $0x7  }
0xc5: {  	s26 =	sand.u32 $0x7F80, s26  }
0xc6: {  	[tilespmem:s26+$0x0] =	vst v12  }
0xc7: {  	v12 =	vld [tilespmem:s28+$0x10010];
	_ =	sdelay $0x4  }
0xc8: {  	[tilespmem:s26+$0x10] =	vst v12  }
0xc9: {  	v12 =	vld [tilespmem:s28+$0x10020];
	_ =	sdelay $0x4  }
0xca: {  	[tilespmem:s26+$0x20] =	vst v12  }
0xcb: {  	v12 =	vld [tilespmem:s28+$0x10030];
	_ =	sdelay $0x4  }
0xcc: {  	[tilespmem:s26+$0x30] =	vst v12  }
0xcd: {  	v12 =	vld [tilespmem:s28+$0x10040];
	_ =	sdelay $0x4  }
0xce: {  	[tilespmem:s26+$0x40] =	vst v12  }
0xcf: {  	v12 =	vld [tilespmem:s28+$0x10050];
	_ =	sdelay $0x4  }
0xd0: {  	[tilespmem:s26+$0x50] =	vst v12  }
0xd1: {  	v12 =	vld [tilespmem:s28+$0x10060];
	_ =	sdelay $0x4  }
0xd2: {  	[tilespmem:s26+$0x60] =	vst v12  }
0xd3: {  	v12 =	vld [tilespmem:s28+$0x10070]  }
0xd4: {  	v11 =	vadd.s32 $0x1, v11  }
.Ltmp11:
0xd5: {  	(pc) =	sbr.rel @p1 .LBB2_12-.Ltmp11, $3  }
0xd6: {  	_ =	sdelay $0x1  }
0xd7: {  	[tilespmem:s26+$0x70] =	vst v12  }
0xd8: {  	s25 =	sadd.s32 $0xFFFFFFFF, s25;
	v12 =	vld.idx.msk [tilespmem:v11+s17+$0x0], $0xffff  }
.LBB2_13:
0xd9: {  	_ =	sdelay $0x3  }
0xda: {  	(v2sf) =	vpush v12, $0x0;
	_ =	sdelay $0xe  }
0xdb: {  	s25 =	spop (v2sf)  }
0xdc: {  	s26 =	sshrl.u32 s25, $0xB  }
0xdd: {  	s26 =	sand.u32 $0x1FFF80, s26  }
0xde: {  	v11 =	vld [tilespmem:s26+$0x10000];
	_ =	sdelay $0x2  }
0xdf: {  	s25 =	sshll.u32 s25, $0x7  }
0xe0: {  	s25 =	sand.u32 $0x7F80, s25  }
0xe1: {  	[tilespmem:s25+$0x0] =	vst v11  }
0xe2: {  	v11 =	vld [tilespmem:s26+$0x10010];
	_ =	sdelay $0x4  }
0xe3: {  	[tilespmem:s25+$0x10] =	vst v11  }
0xe4: {  	v11 =	vld [tilespmem:s26+$0x10020];
	_ =	sdelay $0x4  }
0xe5: {  	[tilespmem:s25+$0x20] =	vst v11  }
0xe6: {  	v11 =	vld [tilespmem:s26+$0x10030];
	_ =	sdelay $0x4  }
0xe7: {  	[tilespmem:s25+$0x30] =	vst v11  }
0xe8: {  	v11 =	vld [tilespmem:s26+$0x10040];
	_ =	sdelay $0x4  }
0xe9: {  	[tilespmem:s25+$0x40] =	vst v11  }
0xea: {  	v11 =	vld [tilespmem:s26+$0x10050];
	_ =	sdelay $0x4  }
0xeb: {  	[tilespmem:s25+$0x50] =	vst v11  }
0xec: {  	v11 =	vld [tilespmem:s26+$0x10060];
	_ =	sdelay $0x4  }
0xed: {  	[tilespmem:s25+$0x60] =	vst v11  }
0xee: {  	v11 =	vld [tilespmem:s26+$0x10070];
	_ =	sdelay $0x4  }
0xef: {  	[tilespmem:s25+$0x70] =	vst v11  }
.LBB2_14:
.Ltmp12:
0xf0: {  	(pc) =	sbr.rel @p0 .LBB2_25-.Ltmp12, $2  }
0xf1: {  	_ =	sdelay $0x2  }
0xf2: {  	[hbm4b:s7+s23] =	stream.linear.scatter [tilespmem:s23], [sflag:$0x1], $0x8000, $0x38;
	[tilespmem:$0x1A000] =	vst v63  }
0xf3: {  	p2 =	seq.s32 s21, $0x1  }
.Ltmp13:
0xf4: {  	_ = 	snop;
	(pc) =	sbr.rel @p2 .LBB2_16-.Ltmp13, $3  }
0xf5: {  	_ =	sdelay $0x1  }
0xf6: {  	s23 =	simm.s32 $0x14000  }
0xf7: {  	v12 =	vmov s24;
	s25 =	simm.s32 $0x0;
	v13 =	vlaneseq.u32;
	p1 =	por $0x0, $0x0;
	v11 =	vld [tilespmem:s23+$0x0];
	s23 =	sadd.s32 $0xFFFFFFFF, s21  }
0xf8: {  	_ =	sdelay $0x3  }
0xf9: {  	v14 =	vand.u32 $0x3FF00, v11  }
0xfa: {  	v14 =	vsub.s32 v14, v0  }
0xfb: {  	vm1 =	vlt.s32 v13, v12;
	vm0 =	veq.s32 v14, $0x100  }
0xfc: {  	vm0 =	vmand vm1, vm0  }
0xfd: {  	v14 =	vsel vm0, $0x1, v2  }
0xfe: {  	(xrf0) =	vadd.scan.msk.s32 $0xffff, v14;
	_ =	sdelay $0x2  }
0xff: {  	v14 =	vmov s25  }
0x100: {  	v14 =	vadd.s32 $0xFFFFFFFF, v14  }
0x101: {  	v14 =	vbroadcast v14, $0x0  }
0x102: {  	v15, _, _ =	vpop (xrf0)  }
0x103: {  	v14 =	vadd.s32 v15, v14;
	(v2sf) =	vpush v15, $0xF  }
0x104: {  	vm15 =	vgt.s32 v14, $0x0  }
0x105: {  	v14 =	vnsel vm15, $0x0, v14  }
0x106: {  	p2 =	seq.s32 s23, $0x1  }
.Ltmp14:
0x107: {  	_ = 	snop;
	(pc) =	sbr.rel @p2 .LBB2_30-.Ltmp14, $3  }
0x108: {  	_ =	sdelay $0x1  }
0x109: {  	s26 =	simm.s32 $0x14010;
	[tilespmem:v14+s19+$0x0] =	vst.idx.msk vm0, v11  }
0x10a: {  	s28 =	sadd.s32 $0xFFFFFFFF, s23;
	p1 =	por $0x1, $0x1;
	s23 =	simm.s32 $0x0;
	v14 =	vlaneseq.u32;
	v11 =	vld [tilespmem:s26+$0x0]  }
.LBB2_31:
0x10b: {  	p2 =	seq.s32 s28, $0x1;
	_ =	sdelay $0x3  }
0x10c: {  	v15 =	vand.u32 $0x3FF00, v11  }
0x10d: {  	v14 =	vadd.s32 $0x10, v14;
	v15 =	vsub.s32 v15, v0  }
0x10e: {  	vm1 =	vlt.s32 v14, v12;
	vm0 =	veq.s32 v15, $0x100;
	s29 =	spop (v2sf)  }
0x10f: {  	vm0 =	vmand vm1, vm0;
	s23 =	sadd.s32 s23, s29  }
0x110: {  	v15 =	vsel vm0, $0x1, v2;
	v16 =	vmov s23  }
0x111: {  	v16 =	vadd.s32 $0xFFFFFFFF, v16;
	(xrf0) =	vadd.scan.msk.s32 $0xffff, v15  }
0x112: {  	v15 =	vbroadcast v16, $0x0;
	_ =	sdelay $0x4  }
0x113: {  	v16, _, _ =	vpop (xrf0)  }
0x114: {  	v15 =	vadd.s32 v16, v15;
	(v2sf) =	vpush v16, $0xF  }
0x115: {  	vm1 =	vgt.s32 v15, $0x0  }
0x116: {  	v15 =	vnsel vm1, $0x0, v15;
	_ =	sdelay $0x1  }
.Ltmp15:
0x117: {  	(pc) =	sbr.rel @!p2 .LBB2_31-.Ltmp15, $3  }
0x118: {  	_ =	sdelay $0x1  }
0x119: {  	s26 =	sadd.s32 $0x10, s26;
	[tilespmem:v15+s19+$0x0] =	vst.idx.msk vm0, v11  }
0x11a: {  	s28 =	sadd.s32 $0xFFFFFFFF, s28;
	v11 =	vld [tilespmem:s26+$0x0]  }
.LBB2_32:
0x11b: {  	_ =	sdelay $0x3  }
0x11c: {  	v14 =	vadd.s32 @p1 $0x10, v14;
	v15 =	vand.u32 $0x3FF00, v11  }
0x11d: {  	v13 =	vpsel p1, v14, v13;
	v15 =	vsub.s32 v15, v0  }
0x11e: {  	vm1 =	vlt.s32 v13, v12;
	vm0 =	veq.s32 v15, $0x100  }
0x11f: {  	vm0 =	vmand vm1, vm0  }
0x120: {  	v62 =	vsel vm0, $0x1, v2  }
0x121: {  	(xrf0) =	vadd.scan.msk.s32 $0xffff, v62;
	_ =	sdelay $0x5  }
0x122: {  	v12, _, _ =	vpop (xrf0)  }
0x123: {  	(v2sf) =	vpush v12, $0xF;
	_ =	sdelay $0x1  }
0x124: {  	s26 =	spop @p1 (v2sf)  }
0x125: {  	s23 =	sadd.s32 @p1 s23, s26  }
0x126: {  	s25 =	smov.u32 @p1 s23  }
0x127: {  	v63 =	vmov s25  }
0x128: {  	v13 =	vadd.s32 $0xFFFFFFFF, v63  }
0x129: {  	v13 =	vbroadcast v13, $0x0;
	_ =	sdelay $0x1  }
0x12a: {  	v12 =	vadd.s32 v12, v13  }
0x12b: {  	vm15 =	vgt.s32 v12, $0x0  }
0x12c: {  	v12 =	vnsel vm15, $0x0, v12;
	_ =	sdelay $0x3  }
0x12d: {  	s26 =	spop (v2sf)  }
0x12e: {  	[tilespmem:v12+s19+$0x0] =	vst.idx.msk vm0, v11;
	s23 =	sadd.s32 s25, s26  }
0x12f: {  	p1 =	slt.s32 s23, $0x1  }
.Ltmp16:
0x130: {  	_ = 	snop;
	(pc) =	sbr.rel @p1 .LBB2_25-.Ltmp16, $1  }
0x131: {  	_ =	sdelay $0x3  }
0x132: {  	s25 =	sadd.s32 s25, s26  }
0x133: {  	v11 =	vimm.s32 $0x0;
	p1 =	sne.s32 s25, $0x1  }
.Ltmp17:
0x134: {  	_ = 	snop;
	(pc) =	sbr.rel @!p1 .LBB2_24-.Ltmp17, $2  }
0x135: {  	_ =	sdelay $0x2  }
0x136: {  	s25 =	sadd.s32 $0xFFFFFFFF, s25;
	v12 =	vld.idx.msk [tilespmem:v11+s19+$0x0], $0xffff  }
.LBB2_23:
0x137: {  	p1 =	sne.s32 s25, $0x1;
	_ =	sdelay $0x4  }
0x138: {  	(v2sf) =	vpush v12, $0x0;
	_ =	sdelay $0xe  }
0x139: {  	s26 =	spop (v2sf)  }
0x13a: {  	s28 =	sshrl.u32 s26, $0xB  }
0x13b: {  	s28 =	sand.u32 $0x1FFF80, s28  }
0x13c: {  	v12 =	vld [tilespmem:s28+$0x10000];
	_ =	sdelay $0x2  }
0x13d: {  	s26 =	sshll.u32 s26, $0x7  }
0x13e: {  	s26 =	sand.u32 $0x7F80, s26  }
0x13f: {  	[tilespmem:s26+$0x8000] =	vst v12  }
0x140: {  	v12 =	vld [tilespmem:s28+$0x10010];
	_ =	sdelay $0x4  }
0x141: {  	[tilespmem:s26+$0x8010] =	vst v12  }
0x142: {  	v12 =	vld [tilespmem:s28+$0x10020];
	_ =	sdelay $0x4  }
0x143: {  	[tilespmem:s26+$0x8020] =	vst v12  }
0x144: {  	v12 =	vld [tilespmem:s28+$0x10030];
	_ =	sdelay $0x4  }
0x145: {  	[tilespmem:s26+$0x8030] =	vst v12  }
0x146: {  	v12 =	vld [tilespmem:s28+$0x10040];
	_ =	sdelay $0x4  }
0x147: {  	[tilespmem:s26+$0x8040] =	vst v12  }
0x148: {  	v12 =	vld [tilespmem:s28+$0x10050];
	_ =	sdelay $0x4  }
0x149: {  	[tilespmem:s26+$0x8050] =	vst v12  }
0x14a: {  	v12 =	vld [tilespmem:s28+$0x10060];
	_ =	sdelay $0x4  }
0x14b: {  	[tilespmem:s26+$0x8060] =	vst v12  }
0x14c: {  	v12 =	vld [tilespmem:s28+$0x10070]  }
0x14d: {  	v11 =	vadd.s32 $0x1, v11  }
.Ltmp18:
0x14e: {  	(pc) =	sbr.rel @p1 .LBB2_23-.Ltmp18, $3  }
0x14f: {  	_ =	sdelay $0x1  }
0x150: {  	[tilespmem:s26+$0x8070] =	vst v12  }
0x151: {  	s25 =	sadd.s32 $0xFFFFFFFF, s25;
	v12 =	vld.idx.msk [tilespmem:v11+s19+$0x0], $0xffff  }
.LBB2_24:
0x152: {  	_ =	sdelay $0x3  }
0x153: {  	(v2sf) =	vpush v12, $0x0;
	_ =	sdelay $0xe  }
0x154: {  	s25 =	spop (v2sf)  }
0x155: {  	s26 =	sshrl.u32 s25, $0xB  }
0x156: {  	s26 =	sand.u32 $0x1FFF80, s26  }
0x157: {  	v11 =	vld [tilespmem:s26+$0x10000];
	_ =	sdelay $0x2  }
0x158: {  	s25 =	sshll.u32 s25, $0x7  }
0x159: {  	s25 =	sand.u32 $0x7F80, s25  }
0x15a: {  	[tilespmem:s25+$0x8000] =	vst v11  }
0x15b: {  	v11 =	vld [tilespmem:s26+$0x10010];
	_ =	sdelay $0x4  }
0x15c: {  	[tilespmem:s25+$0x8010] =	vst v11  }
0x15d: {  	v11 =	vld [tilespmem:s26+$0x10020];
	_ =	sdelay $0x4  }
0x15e: {  	[tilespmem:s25+$0x8020] =	vst v11  }
0x15f: {  	v11 =	vld [tilespmem:s26+$0x10030];
	_ =	sdelay $0x4  }
0x160: {  	[tilespmem:s25+$0x8030] =	vst v11  }
0x161: {  	v11 =	vld [tilespmem:s26+$0x10040];
	_ =	sdelay $0x4  }
0x162: {  	[tilespmem:s25+$0x8040] =	vst v11  }
0x163: {  	v11 =	vld [tilespmem:s26+$0x10050];
	_ =	sdelay $0x4  }
0x164: {  	[tilespmem:s25+$0x8050] =	vst v11  }
0x165: {  	v11 =	vld [tilespmem:s26+$0x10060];
	_ =	sdelay $0x4  }
0x166: {  	[tilespmem:s25+$0x8060] =	vst v11  }
0x167: {  	v11 =	vld [tilespmem:s26+$0x10070];
	_ =	sdelay $0x4  }
0x168: {  	[tilespmem:s25+$0x8070] =	vst v11  }
.LBB2_25:
.Ltmp19:
0x169: {  	(pc) =	sbr.rel .LBB2_26-.Ltmp19, $3  }
0x16a: {  	_ =	sdelay $0x1  }
0x16b: {  	[hbm4b:s8+s4] =	stream.linear.scatter [tilespmem:s15], [sflag:$0x2], $0x8000, $0x38;
	v11 =	vmov s24;
	[tilespmem:$0x1A000] =	vst v63  }
0x16c: {  	s24 =	simm.s32 $0x1;
	v12 =	vimm.s32 $0x0;
	v13 =	vimm.s32 $0x1;
	v14 =	vimm.s32 $0x0  }
.LBB2_42:
0x16d: {  	s23 =	simm.s32 $0x0  }
.LBB2_56:
0x16e: {  	(v2sf) =	vpush v13, $0x0;
	_ =	sdelay $0xd  }
0x16f: {  	s24 =	sadd.s32 $0x1, s24  }
0x170: {  	p1 =	sne.s32 s24, $0x10;
	s25 =	spop (v2sf)  }
.Ltmp20:
0x171: {  	s25 =	sshll.u32 s25, $0xF;
	(pc) =	sbr.rel @!p1 .LBB2_57-.Ltmp20, $4  }
0x172: {  	s25 =	sadd.s32 s9, s25  }
0x173: {  	s25 =	sshrl.u32 s25, $0x3  }
0x174: {  	s25 =	sadd.s32 s3, s25  }
0x175: {  	[hbm4b:s25+s4] =	stream.linear.scatter [tilespmem:s15], [sflag:$0x2], $0x8000, $0x38;
	[tilespmem:$0x1A000] =	vst v63  }
.LBB2_26:
0x176: {  	p1 =	sgt.s32 s22, $0x0  }
.Ltmp21:
0x177: {  	_ = 	snop;
	(pc) =	sbr.rel @!p1 .LBB2_27-.Ltmp21, $4  }
0x178: {  	_ = 	snop  }
0x179: {  	_ =	swait.ge [sflag:s16], $0x8000  }
0x17a: {  	[sflag:s16] =	ssyncset.done $0x0  }
0x17b: {  	[sflag:s16] =	ssyncadd.s32 $0xFFFF8000  }
0x17c: {  	p1 =	seq.s32 s22, $0x1  }
.Ltmp22:
0x17d: {  	_ = 	snop;
	(pc) =	sbr.rel @p1 .LBB2_35-.Ltmp22, $2  }
0x17e: {  	_ =	sdelay $0x2  }
0x17f: {  	v16 =	vld.idx.msk [tilespmem:v12+s17+$0x0], $0xffff;
	s22 =	sadd.s32 $0xFFFFFFFF, s22;
	v15 =	vimm.s32 $0x0  }
.LBB2_34:
0x180: {  	p1 =	seq.s32 s22, $0x1;
	_ =	sdelay $0x4  }
0x181: {  	(v2sf) =	vpush v16, $0x0;
	_ =	sdelay $0xe  }
0x182: {  	s25 =	spop (v2sf)  }
0x183: {  	s25 =	sshll.u32 s25, $0x7  }
0x184: {  	s25 =	sand.u32 $0x7F80, s25  }
0x185: {  	[tilespmem:s25+$0x0] =	vst v3  }
0x186: {  	[tilespmem:s25+$0x10] =	vst v4  }
0x187: {  	[tilespmem:s25+$0x20] =	vst v5  }
0x188: {  	v15 =	vadd.s32 $0x1, v15;
	[tilespmem:s25+$0x30] =	vst v6  }
.Ltmp23:
0x189: {  	[tilespmem:s25+$0x40] =	vst v7;
	(pc) =	sbr.rel @!p1 .LBB2_34-.Ltmp23, $4  }
0x18a: {  	[tilespmem:s25+$0x50] =	vst v8  }
0x18b: {  	[tilespmem:s25+$0x60] =	vst v9  }
0x18c: {  	[tilespmem:s25+$0x70] =	vst v10  }
0x18d: {  	s22 =	sadd.s32 $0xFFFFFFFF, s22;
	v16 =	vld.idx.msk [tilespmem:v15+s17+$0x0], $0xffff  }
.LBB2_35:
0x18e: {  	_ =	sdelay $0x3  }
0x18f: {  	(v2sf) =	vpush v16, $0x0;
	_ =	sdelay $0xe  }
0x190: {  	s22 =	spop (v2sf)  }
0x191: {  	s22 =	sshll.u32 s22, $0x7  }
0x192: {  	s22 =	sand.u32 $0x7F80, s22  }
0x193: {  	[tilespmem:s22+$0x0] =	vst v3  }
0x194: {  	[tilespmem:s22+$0x10] =	vst v4  }
0x195: {  	[tilespmem:s22+$0x20] =	vst v5  }
0x196: {  	[tilespmem:s22+$0x30] =	vst v6  }
0x197: {  	[tilespmem:s22+$0x40] =	vst v7  }
0x198: {  	[tilespmem:s22+$0x50] =	vst v8  }
0x199: {  	[tilespmem:s22+$0x60] =	vst v9  }
0x19a: {  	[tilespmem:s22+$0x70] =	vst v10  }
.LBB2_27:
.Ltmp24:
0x19b: {  	(pc) =	sbr.rel @p0 .LBB2_28-.Ltmp24, $2  }
0x19c: {  	_ =	sdelay $0x2  }
0x19d: {  	v14 =	vadd.s32 $0x2, v14;
	s25 =	simm.s32 $0x0  }
0x19e: {  	p2 =	seq.s32 s21, $0x1  }
.Ltmp25:
0x19f: {  	_ = 	snop;
	(pc) =	sbr.rel @p2 .LBB2_44-.Ltmp25, $3  }
0x1a0: {  	_ =	sdelay $0x1  }
0x1a1: {  	s22 =	simm.s32 $0x14000  }
0x1a2: {  	v16 =	vlaneseq.u32;
	p1 =	por $0x0, $0x0;
	v15 =	vld [tilespmem:s22+$0x0];
	s22 =	sadd.s32 $0xFFFFFFFF, s21  }
0x1a3: {  	_ =	sdelay $0x3  }
0x1a4: {  	v17 =	vand.u32 $0x3FF00, v15  }
0x1a5: {  	v17 =	vsub.s32 v17, v0  }
0x1a6: {  	v17 =	vshrl.u32 v17, $0x8  }
0x1a7: {  	vm1 =	vlt.s32 v16, v11;
	vm0 =	veq.s32 v17, v14  }
0x1a8: {  	vm0 =	vmand vm1, vm0  }
0x1a9: {  	v17 =	vsel vm0, $0x1, v2  }
0x1aa: {  	(xrf0) =	vadd.scan.msk.s32 $0xffff, v17;
	_ =	sdelay $0x2  }
0x1ab: {  	v17 =	vmov s25  }
0x1ac: {  	v17 =	vadd.s32 $0xFFFFFFFF, v17  }
0x1ad: {  	v17 =	vbroadcast v17, $0x0  }
0x1ae: {  	v18, _, _ =	vpop (xrf0)  }
0x1af: {  	v17 =	vadd.s32 v18, v17;
	(v2sf) =	vpush v18, $0xF  }
0x1b0: {  	vm15 =	vgt.s32 v17, $0x0  }
0x1b1: {  	v17 =	vnsel vm15, $0x0, v17  }
0x1b2: {  	p2 =	seq.s32 s22, $0x1  }
.Ltmp26:
0x1b3: {  	_ = 	snop;
	(pc) =	sbr.rel @p2 .LBB2_46-.Ltmp26, $3  }
0x1b4: {  	_ =	sdelay $0x1  }
0x1b5: {  	s26 =	simm.s32 $0x14010;
	[tilespmem:v17+s17+$0x0] =	vst.idx.msk vm0, v15  }
0x1b6: {  	s28 =	sadd.s32 $0xFFFFFFFF, s22;
	p1 =	por $0x1, $0x1;
	s22 =	simm.s32 $0x0;
	v17 =	vlaneseq.u32;
	v15 =	vld [tilespmem:s26+$0x0]  }
.LBB2_47:
0x1b7: {  	p2 =	seq.s32 s28, $0x1;
	_ =	sdelay $0x3  }
0x1b8: {  	v18 =	vand.u32 $0x3FF00, v15  }
0x1b9: {  	v18 =	vsub.s32 v18, v0  }
0x1ba: {  	v17 =	vadd.s32 $0x10, v17;
	v18 =	vshrl.u32 v18, $0x8;
	s29 =	spop (v2sf)  }
0x1bb: {  	vm1 =	vlt.s32 v17, v11;
	vm0 =	veq.s32 v18, v14;
	s22 =	sadd.s32 s22, s29  }
0x1bc: {  	vm0 =	vmand vm1, vm0;
	v18 =	vmov s22  }
0x1bd: {  	v19 =	vsel vm0, $0x1, v2;
	v18 =	vadd.s32 $0xFFFFFFFF, v18  }
0x1be: {  	v18 =	vbroadcast v18, $0x0;
	(xrf0) =	vadd.scan.msk.s32 $0xffff, v19;
	_ =	sdelay $0x5  }
0x1bf: {  	v19, _, _ =	vpop (xrf0)  }
0x1c0: {  	v18 =	vadd.s32 v19, v18;
	(v2sf) =	vpush v19, $0xF  }
0x1c1: {  	vm1 =	vgt.s32 v18, $0x0  }
0x1c2: {  	v18 =	vnsel vm1, $0x0, v18;
	_ =	sdelay $0x1  }
.Ltmp27:
0x1c3: {  	(pc) =	sbr.rel @!p2 .LBB2_47-.Ltmp27, $3  }
0x1c4: {  	_ =	sdelay $0x1  }
0x1c5: {  	s26 =	sadd.s32 $0x10, s26;
	[tilespmem:v18+s17+$0x0] =	vst.idx.msk vm0, v15  }
0x1c6: {  	s28 =	sadd.s32 $0xFFFFFFFF, s28;
	v15 =	vld [tilespmem:s26+$0x0]  }
.LBB2_48:
0x1c7: {  	_ =	sdelay $0x3  }
0x1c8: {  	v18 =	vand.u32 $0x3FF00, v15  }
0x1c9: {  	v17 =	vadd.s32 @p1 $0x10, v17;
	v18 =	vsub.s32 v18, v0  }
0x1ca: {  	v16 =	vpsel p1, v17, v16;
	v18 =	vshrl.u32 v18, $0x8  }
0x1cb: {  	vm1 =	vlt.s32 v16, v11;
	vm0 =	veq.s32 v18, v14  }
0x1cc: {  	vm0 =	vmand vm1, vm0  }
0x1cd: {  	v62 =	vsel vm0, $0x1, v2  }
0x1ce: {  	(xrf0) =	vadd.scan.msk.s32 $0xffff, v62;
	_ =	sdelay $0x5  }
0x1cf: {  	v16, _, _ =	vpop (xrf0)  }
0x1d0: {  	(v2sf) =	vpush v16, $0xF;
	_ =	sdelay $0x1  }
0x1d1: {  	s26 =	spop @p1 (v2sf)  }
0x1d2: {  	s22 =	sadd.s32 @p1 s22, s26  }
0x1d3: {  	s25 =	smov.u32 @p1 s22  }
0x1d4: {  	v63 =	vmov s25  }
0x1d5: {  	v17 =	vadd.s32 $0xFFFFFFFF, v63  }
0x1d6: {  	v17 =	vbroadcast v17, $0x0;
	_ =	sdelay $0x1  }
0x1d7: {  	v16 =	vadd.s32 v16, v17  }
0x1d8: {  	vm15 =	vgt.s32 v16, $0x0  }
0x1d9: {  	v16 =	vnsel vm15, $0x0, v16;
	_ =	sdelay $0x3  }
0x1da: {  	s26 =	spop (v2sf)  }
0x1db: {  	[tilespmem:v16+s17+$0x0] =	vst.idx.msk vm0, v15;
	s22 =	sadd.s32 s25, s26  }
0x1dc: {  	p1 =	slt.s32 s22, $0x1  }
.Ltmp28:
0x1dd: {  	_ = 	snop;
	(pc) =	sbr.rel @p1 .LBB2_40-.Ltmp28, $1  }
0x1de: {  	_ =	sdelay $0x3  }
0x1df: {  	s25 =	sadd.s32 s25, s26  }
0x1e0: {  	v15 =	vimm.s32 $0x0;
	p1 =	sne.s32 s25, $0x1  }
.Ltmp29:
0x1e1: {  	_ = 	snop;
	(pc) =	sbr.rel @!p1 .LBB2_39-.Ltmp29, $2  }
0x1e2: {  	_ =	sdelay $0x2  }
0x1e3: {  	s25 =	sadd.s32 $0xFFFFFFFF, s25;
	v16 =	vld.idx.msk [tilespmem:v15+s17+$0x0], $0xffff  }
.LBB2_38:
0x1e4: {  	p1 =	sne.s32 s25, $0x1;
	_ =	sdelay $0x4  }
0x1e5: {  	(v2sf) =	vpush v16, $0x0;
	_ =	sdelay $0xe  }
0x1e6: {  	s26 =	spop (v2sf)  }
0x1e7: {  	s28 =	sshrl.u32 s26, $0xB  }
0x1e8: {  	s28 =	sand.u32 $0x1FFF80, s28  }
0x1e9: {  	v16 =	vld [tilespmem:s28+$0x10000];
	_ =	sdelay $0x2  }
0x1ea: {  	s26 =	sshll.u32 s26, $0x7  }
0x1eb: {  	s26 =	sand.u32 $0x7F80, s26  }
0x1ec: {  	[tilespmem:s26+$0x0] =	vst v16  }
0x1ed: {  	v16 =	vld [tilespmem:s28+$0x10010];
	_ =	sdelay $0x4  }
0x1ee: {  	[tilespmem:s26+$0x10] =	vst v16  }
0x1ef: {  	v16 =	vld [tilespmem:s28+$0x10020];
	_ =	sdelay $0x4  }
0x1f0: {  	[tilespmem:s26+$0x20] =	vst v16  }
0x1f1: {  	v16 =	vld [tilespmem:s28+$0x10030];
	_ =	sdelay $0x4  }
0x1f2: {  	[tilespmem:s26+$0x30] =	vst v16  }
0x1f3: {  	v16 =	vld [tilespmem:s28+$0x10040];
	_ =	sdelay $0x4  }
0x1f4: {  	[tilespmem:s26+$0x40] =	vst v16  }
0x1f5: {  	v16 =	vld [tilespmem:s28+$0x10050];
	_ =	sdelay $0x4  }
0x1f6: {  	[tilespmem:s26+$0x50] =	vst v16  }
0x1f7: {  	v16 =	vld [tilespmem:s28+$0x10060];
	_ =	sdelay $0x4  }
0x1f8: {  	[tilespmem:s26+$0x60] =	vst v16  }
0x1f9: {  	v16 =	vld [tilespmem:s28+$0x10070]  }
0x1fa: {  	v15 =	vadd.s32 $0x1, v15  }
.Ltmp30:
0x1fb: {  	(pc) =	sbr.rel @p1 .LBB2_38-.Ltmp30, $3  }
0x1fc: {  	_ =	sdelay $0x1  }
0x1fd: {  	[tilespmem:s26+$0x70] =	vst v16  }
0x1fe: {  	s25 =	sadd.s32 $0xFFFFFFFF, s25;
	v16 =	vld.idx.msk [tilespmem:v15+s17+$0x0], $0xffff  }
.LBB2_39:
0x1ff: {  	_ =	sdelay $0x3  }
0x200: {  	(v2sf) =	vpush v16, $0x0;
	_ =	sdelay $0xe  }
0x201: {  	s25 =	spop (v2sf)  }
0x202: {  	s26 =	sshrl.u32 s25, $0xB  }
0x203: {  	s26 =	sand.u32 $0x1FFF80, s26  }
0x204: {  	v15 =	vld [tilespmem:s26+$0x10000];
	_ =	sdelay $0x2  }
0x205: {  	s25 =	sshll.u32 s25, $0x7  }
0x206: {  	s25 =	sand.u32 $0x7F80, s25  }
0x207: {  	[tilespmem:s25+$0x0] =	vst v15  }
0x208: {  	v15 =	vld [tilespmem:s26+$0x10010];
	_ =	sdelay $0x4  }
0x209: {  	[tilespmem:s25+$0x10] =	vst v15  }
0x20a: {  	v15 =	vld [tilespmem:s26+$0x10020];
	_ =	sdelay $0x4  }
0x20b: {  	[tilespmem:s25+$0x20] =	vst v15  }
0x20c: {  	v15 =	vld [tilespmem:s26+$0x10030];
	_ =	sdelay $0x4  }
0x20d: {  	[tilespmem:s25+$0x30] =	vst v15  }
0x20e: {  	v15 =	vld [tilespmem:s26+$0x10040];
	_ =	sdelay $0x4  }
0x20f: {  	[tilespmem:s25+$0x40] =	vst v15  }
0x210: {  	v15 =	vld [tilespmem:s26+$0x10050];
	_ =	sdelay $0x4  }
0x211: {  	[tilespmem:s25+$0x50] =	vst v15  }
0x212: {  	v15 =	vld [tilespmem:s26+$0x10060];
	_ =	sdelay $0x4  }
0x213: {  	[tilespmem:s25+$0x60] =	vst v15  }
0x214: {  	v15 =	vld [tilespmem:s26+$0x10070]  }
.Ltmp31:
0x215: {  	_ = 	snop;
	(pc) =	sbr.rel .LBB2_40-.Ltmp31, $2  }
0x216: {  	_ =	sdelay $0x2  }
0x217: {  	[tilespmem:s25+$0x70] =	vst v15  }
.LBB2_28:
0x218: {  	s22 =	simm.s32 $0x0  }
.LBB2_40:
0x219: {  	(v2sf) =	vpush v14, $0x0;
	_ =	sdelay $0xe  }
0x21a: {  	s25 =	spop (v2sf)  }
0x21b: {  	s25 =	sshll.u32 s25, $0xF  }
0x21c: {  	s25 =	sadd.s32 s9, s25  }
0x21d: {  	p1 =	sgt.s32 s23, $0x0;
	s25 =	sshrl.u32 s25, $0x3  }
.Ltmp32:
0x21e: {  	s25 =	sadd.s32 s3, s25;
	(pc) =	sbr.rel @!p1 .LBB2_41-.Ltmp32, $4  }
0x21f: {  	[hbm4b:s25+s4] =	stream.linear.scatter [tilespmem:s4], [sflag:$0x1], $0x8000, $0x38;
	[tilespmem:$0x1A000] =	vst v63  }
0x220: {  	_ =	swait.ge [sflag:s18], $0x8000  }
0x221: {  	[sflag:s18] =	ssyncset.done $0x0  }
0x222: {  	v15 =	vimm.s32 $0x0;
	[sflag:s18] =	ssyncadd.s32 $0xFFFF8000  }
0x223: {  	p1 =	seq.s32 s23, $0x1  }
.Ltmp33:
0x224: {  	_ = 	snop;
	(pc) =	sbr.rel @p1 .LBB2_51-.Ltmp33, $2  }
0x225: {  	_ =	sdelay $0x2  }
0x226: {  	v16 =	vld.idx.msk [tilespmem:v15+s19+$0x0], $0xffff;
	s23 =	sadd.s32 $0xFFFFFFFF, s23  }
.LBB2_50:
0x227: {  	p1 =	seq.s32 s23, $0x1;
	_ =	sdelay $0x4  }
0x228: {  	(v2sf) =	vpush v16, $0x0;
	_ =	sdelay $0xe  }
0x229: {  	s25 =	spop (v2sf)  }
0x22a: {  	s25 =	sshll.u32 s25, $0x7  }
0x22b: {  	s25 =	sand.u32 $0x7F80, s25  }
0x22c: {  	[tilespmem:s25+$0x8000] =	vst v3  }
0x22d: {  	[tilespmem:s25+$0x8010] =	vst v4  }
0x22e: {  	[tilespmem:s25+$0x8020] =	vst v5  }
0x22f: {  	v15 =	vadd.s32 $0x1, v15;
	[tilespmem:s25+$0x8030] =	vst v6  }
.Ltmp34:
0x230: {  	[tilespmem:s25+$0x8040] =	vst v7;
	(pc) =	sbr.rel @!p1 .LBB2_50-.Ltmp34, $4  }
0x231: {  	[tilespmem:s25+$0x8050] =	vst v8  }
0x232: {  	[tilespmem:s25+$0x8060] =	vst v9  }
0x233: {  	[tilespmem:s25+$0x8070] =	vst v10  }
0x234: {  	s23 =	sadd.s32 $0xFFFFFFFF, s23;
	v16 =	vld.idx.msk [tilespmem:v15+s19+$0x0], $0xffff  }
.LBB2_51:
0x235: {  	_ =	sdelay $0x3  }
0x236: {  	(v2sf) =	vpush v16, $0x0;
	_ =	sdelay $0xe  }
0x237: {  	s23 =	spop (v2sf)  }
0x238: {  	s23 =	sshll.u32 s23, $0x7  }
0x239: {  	s23 =	sand.u32 $0x7F80, s23  }
0x23a: {  	[tilespmem:s23+$0x8000] =	vst v3  }
0x23b: {  	[tilespmem:s23+$0x8010] =	vst v4  }
0x23c: {  	[tilespmem:s23+$0x8020] =	vst v5  }
0x23d: {  	[tilespmem:s23+$0x8030] =	vst v6  }
0x23e: {  	[tilespmem:s23+$0x8040] =	vst v7  }
0x23f: {  	[tilespmem:s23+$0x8050] =	vst v8  }
0x240: {  	[tilespmem:s23+$0x8060] =	vst v9  }
0x241: {  	[tilespmem:s23+$0x8070] =	vst v10  }
.LBB2_41:
.Ltmp35:
0x242: {  	(pc) =	sbr.rel @p0 .LBB2_42-.Ltmp35, $2  }
0x243: {  	_ =	sdelay $0x2  }
0x244: {  	v13 =	vadd.s32 $0x2, v13;
	s25 =	simm.s32 $0x0  }
0x245: {  	p2 =	seq.s32 s21, $0x1  }
.Ltmp36:
0x246: {  	_ = 	snop;
	(pc) =	sbr.rel @p2 .LBB2_60-.Ltmp36, $3  }
0x247: {  	_ =	sdelay $0x1  }
0x248: {  	s23 =	simm.s32 $0x14000  }
0x249: {  	v16 =	vlaneseq.u32;
	p1 =	por $0x0, $0x0;
	v15 =	vld [tilespmem:s23+$0x0];
	s23 =	sadd.s32 $0xFFFFFFFF, s21  }
0x24a: {  	_ =	sdelay $0x3  }
0x24b: {  	v17 =	vand.u32 $0x3FF00, v15  }
0x24c: {  	v17 =	vsub.s32 v17, v0  }
0x24d: {  	v17 =	vshrl.u32 v17, $0x8  }
0x24e: {  	vm1 =	vlt.s32 v16, v11;
	vm0 =	veq.s32 v17, v13  }
0x24f: {  	vm0 =	vmand vm1, vm0  }
0x250: {  	v17 =	vsel vm0, $0x1, v2  }
0x251: {  	(xrf0) =	vadd.scan.msk.s32 $0xffff, v17;
	_ =	sdelay $0x2  }
0x252: {  	v17 =	vmov s25  }
0x253: {  	v17 =	vadd.s32 $0xFFFFFFFF, v17  }
0x254: {  	v17 =	vbroadcast v17, $0x0  }
0x255: {  	v18, _, _ =	vpop (xrf0)  }
0x256: {  	v17 =	vadd.s32 v18, v17;
	(v2sf) =	vpush v18, $0xF  }
0x257: {  	vm15 =	vgt.s32 v17, $0x0  }
0x258: {  	v17 =	vnsel vm15, $0x0, v17  }
0x259: {  	p2 =	seq.s32 s23, $0x1  }
.Ltmp37:
0x25a: {  	_ = 	snop;
	(pc) =	sbr.rel @p2 .LBB2_62-.Ltmp37, $3  }
0x25b: {  	_ =	sdelay $0x1  }
0x25c: {  	s26 =	simm.s32 $0x14010;
	[tilespmem:v17+s19+$0x0] =	vst.idx.msk vm0, v15  }
0x25d: {  	s28 =	sadd.s32 $0xFFFFFFFF, s23;
	p1 =	por $0x1, $0x1;
	s23 =	simm.s32 $0x0;
	v17 =	vlaneseq.u32;
	v15 =	vld [tilespmem:s26+$0x0]  }
.LBB2_63:
0x25e: {  	p2 =	seq.s32 s28, $0x1;
	_ =	sdelay $0x3  }
0x25f: {  	v18 =	vand.u32 $0x3FF00, v15  }
0x260: {  	v18 =	vsub.s32 v18, v0  }
0x261: {  	v17 =	vadd.s32 $0x10, v17;
	v18 =	vshrl.u32 v18, $0x8;
	s29 =	spop (v2sf)  }
0x262: {  	vm1 =	vlt.s32 v17, v11;
	vm0 =	veq.s32 v18, v13;
	s23 =	sadd.s32 s23, s29  }
0x263: {  	vm0 =	vmand vm1, vm0;
	v18 =	vmov s23  }
0x264: {  	v19 =	vsel vm0, $0x1, v2;
	v18 =	vadd.s32 $0xFFFFFFFF, v18  }
0x265: {  	v18 =	vbroadcast v18, $0x0;
	(xrf0) =	vadd.scan.msk.s32 $0xffff, v19;
	_ =	sdelay $0x5  }
0x266: {  	v19, _, _ =	vpop (xrf0)  }
0x267: {  	v18 =	vadd.s32 v19, v18;
	(v2sf) =	vpush v19, $0xF  }
0x268: {  	vm1 =	vgt.s32 v18, $0x0  }
0x269: {  	v18 =	vnsel vm1, $0x0, v18;
	_ =	sdelay $0x1  }
.Ltmp38:
0x26a: {  	(pc) =	sbr.rel @!p2 .LBB2_63-.Ltmp38, $3  }
0x26b: {  	_ =	sdelay $0x1  }
0x26c: {  	s26 =	sadd.s32 $0x10, s26;
	[tilespmem:v18+s19+$0x0] =	vst.idx.msk vm0, v15  }
0x26d: {  	s28 =	sadd.s32 $0xFFFFFFFF, s28;
	v15 =	vld [tilespmem:s26+$0x0]  }
.LBB2_64:
0x26e: {  	_ =	sdelay $0x3  }
0x26f: {  	v18 =	vand.u32 $0x3FF00, v15  }
0x270: {  	v17 =	vadd.s32 @p1 $0x10, v17;
	v18 =	vsub.s32 v18, v0  }
0x271: {  	v16 =	vpsel p1, v17, v16;
	v18 =	vshrl.u32 v18, $0x8  }
0x272: {  	vm1 =	vlt.s32 v16, v11;
	vm0 =	veq.s32 v18, v13  }
0x273: {  	vm0 =	vmand vm1, vm0  }
0x274: {  	v62 =	vsel vm0, $0x1, v2  }
0x275: {  	(xrf0) =	vadd.scan.msk.s32 $0xffff, v62;
	_ =	sdelay $0x5  }
0x276: {  	v16, _, _ =	vpop (xrf0)  }
0x277: {  	(v2sf) =	vpush v16, $0xF;
	_ =	sdelay $0x1  }
0x278: {  	s26 =	spop @p1 (v2sf)  }
0x279: {  	s23 =	sadd.s32 @p1 s23, s26  }
0x27a: {  	s25 =	smov.u32 @p1 s23  }
0x27b: {  	v63 =	vmov s25  }
0x27c: {  	v17 =	vadd.s32 $0xFFFFFFFF, v63  }
0x27d: {  	v17 =	vbroadcast v17, $0x0;
	_ =	sdelay $0x1  }
0x27e: {  	v16 =	vadd.s32 v16, v17  }
0x27f: {  	vm15 =	vgt.s32 v16, $0x0  }
0x280: {  	v16 =	vnsel vm15, $0x0, v16;
	_ =	sdelay $0x3  }
0x281: {  	s26 =	spop (v2sf)  }
0x282: {  	[tilespmem:v16+s19+$0x0] =	vst.idx.msk vm0, v15;
	s23 =	sadd.s32 s25, s26  }
0x283: {  	p1 =	slt.s32 s23, $0x1  }
.Ltmp39:
0x284: {  	_ = 	snop;
	(pc) =	sbr.rel @p1 .LBB2_56-.Ltmp39, $1  }
0x285: {  	_ =	sdelay $0x3  }
0x286: {  	s25 =	sadd.s32 s25, s26  }
0x287: {  	v15 =	vimm.s32 $0x0;
	p1 =	sne.s32 s25, $0x1  }
.Ltmp40:
0x288: {  	_ = 	snop;
	(pc) =	sbr.rel @!p1 .LBB2_55-.Ltmp40, $2  }
0x289: {  	_ =	sdelay $0x2  }
0x28a: {  	s25 =	sadd.s32 $0xFFFFFFFF, s25;
	v16 =	vld.idx.msk [tilespmem:v15+s19+$0x0], $0xffff  }
.LBB2_54:
0x28b: {  	p1 =	sne.s32 s25, $0x1;
	_ =	sdelay $0x4  }
0x28c: {  	(v2sf) =	vpush v16, $0x0;
	_ =	sdelay $0xe  }
0x28d: {  	s26 =	spop (v2sf)  }
0x28e: {  	s28 =	sshrl.u32 s26, $0xB  }
0x28f: {  	s28 =	sand.u32 $0x1FFF80, s28  }
0x290: {  	v16 =	vld [tilespmem:s28+$0x10000];
	_ =	sdelay $0x2  }
0x291: {  	s26 =	sshll.u32 s26, $0x7  }
0x292: {  	s26 =	sand.u32 $0x7F80, s26  }
0x293: {  	[tilespmem:s26+$0x8000] =	vst v16  }
0x294: {  	v16 =	vld [tilespmem:s28+$0x10010];
	_ =	sdelay $0x4  }
0x295: {  	[tilespmem:s26+$0x8010] =	vst v16  }
0x296: {  	v16 =	vld [tilespmem:s28+$0x10020];
	_ =	sdelay $0x4  }
0x297: {  	[tilespmem:s26+$0x8020] =	vst v16  }
0x298: {  	v16 =	vld [tilespmem:s28+$0x10030];
	_ =	sdelay $0x4  }
0x299: {  	[tilespmem:s26+$0x8030] =	vst v16  }
0x29a: {  	v16 =	vld [tilespmem:s28+$0x10040];
	_ =	sdelay $0x4  }
0x29b: {  	[tilespmem:s26+$0x8040] =	vst v16  }
0x29c: {  	v16 =	vld [tilespmem:s28+$0x10050];
	_ =	sdelay $0x4  }
0x29d: {  	[tilespmem:s26+$0x8050] =	vst v16  }
0x29e: {  	v16 =	vld [tilespmem:s28+$0x10060];
	_ =	sdelay $0x4  }
0x29f: {  	[tilespmem:s26+$0x8060] =	vst v16  }
0x2a0: {  	v16 =	vld [tilespmem:s28+$0x10070]  }
0x2a1: {  	v15 =	vadd.s32 $0x1, v15  }
.Ltmp41:
0x2a2: {  	(pc) =	sbr.rel @p1 .LBB2_54-.Ltmp41, $3  }
0x2a3: {  	_ =	sdelay $0x1  }
0x2a4: {  	[tilespmem:s26+$0x8070] =	vst v16  }
0x2a5: {  	s25 =	sadd.s32 $0xFFFFFFFF, s25;
	v16 =	vld.idx.msk [tilespmem:v15+s19+$0x0], $0xffff  }
.LBB2_55:
0x2a6: {  	_ =	sdelay $0x3  }
0x2a7: {  	(v2sf) =	vpush v16, $0x0;
	_ =	sdelay $0xe  }
0x2a8: {  	s25 =	spop (v2sf)  }
0x2a9: {  	s26 =	sshrl.u32 s25, $0xB  }
0x2aa: {  	s26 =	sand.u32 $0x1FFF80, s26  }
0x2ab: {  	v15 =	vld [tilespmem:s26+$0x10000];
	_ =	sdelay $0x2  }
0x2ac: {  	s25 =	sshll.u32 s25, $0x7  }
0x2ad: {  	s25 =	sand.u32 $0x7F80, s25  }
0x2ae: {  	[tilespmem:s25+$0x8000] =	vst v15  }
0x2af: {  	v15 =	vld [tilespmem:s26+$0x10010];
	_ =	sdelay $0x4  }
0x2b0: {  	[tilespmem:s25+$0x8010] =	vst v15  }
0x2b1: {  	v15 =	vld [tilespmem:s26+$0x10020];
	_ =	sdelay $0x4  }
0x2b2: {  	[tilespmem:s25+$0x8020] =	vst v15  }
0x2b3: {  	v15 =	vld [tilespmem:s26+$0x10030];
	_ =	sdelay $0x4  }
0x2b4: {  	[tilespmem:s25+$0x8030] =	vst v15  }
0x2b5: {  	v15 =	vld [tilespmem:s26+$0x10040];
	_ =	sdelay $0x4  }
0x2b6: {  	[tilespmem:s25+$0x8040] =	vst v15  }
0x2b7: {  	v15 =	vld [tilespmem:s26+$0x10050];
	_ =	sdelay $0x4  }
0x2b8: {  	[tilespmem:s25+$0x8050] =	vst v15  }
0x2b9: {  	v15 =	vld [tilespmem:s26+$0x10060];
	_ =	sdelay $0x4  }
0x2ba: {  	[tilespmem:s25+$0x8060] =	vst v15  }
0x2bb: {  	v15 =	vld [tilespmem:s26+$0x10070]  }
.Ltmp42:
0x2bc: {  	_ = 	snop;
	(pc) =	sbr.rel .LBB2_56-.Ltmp42, $2  }
0x2bd: {  	_ =	sdelay $0x2  }
0x2be: {  	[tilespmem:s25+$0x8070] =	vst v15  }
.LBB2_44:
.Ltmp43:
0x2bf: {  	(pc) =	sbr.rel .LBB2_48-.Ltmp43, $2  }
0x2c0: {  	_ =	sdelay $0x2  }
0x2c1: {  	v17 =	vlaneseq.u32;
	s22 =	simm.s32 $0x0  }
.LBB2_60:
.Ltmp44:
0x2c2: {  	(pc) =	sbr.rel .LBB2_64-.Ltmp44, $2  }
0x2c3: {  	_ =	sdelay $0x2  }
0x2c4: {  	v17 =	vlaneseq.u32;
	s23 =	simm.s32 $0x0  }
.LBB2_46:
.Ltmp45:
0x2c5: {  	(pc) =	sbr.rel .LBB2_48-.Ltmp45, $2  }
0x2c6: {  	_ =	sdelay $0x2  }
0x2c7: {  	v17 =	vlaneseq.u32;
	s22 =	simm.s32 $0x0  }
.LBB2_62:
.Ltmp46:
0x2c8: {  	(pc) =	sbr.rel .LBB2_64-.Ltmp46, $2  }
0x2c9: {  	_ =	sdelay $0x2  }
0x2ca: {  	v17 =	vlaneseq.u32;
	s23 =	simm.s32 $0x0  }
.LBB2_9:
.Ltmp47:
0x2cb: {  	(pc) =	sbr.rel .LBB2_20-.Ltmp47, $2  }
0x2cc: {  	_ =	sdelay $0x2  }
0x2cd: {  	v14 =	vlaneseq.u32;
	s22 =	simm.s32 $0x0  }
.LBB2_16:
.Ltmp48:
0x2ce: {  	(pc) =	sbr.rel .LBB2_32-.Ltmp48, $2  }
0x2cf: {  	_ =	sdelay $0x2  }
0x2d0: {  	v14 =	vlaneseq.u32;
	s23 =	simm.s32 $0x0  }
.LBB2_18:
.Ltmp49:
0x2d1: {  	(pc) =	sbr.rel .LBB2_20-.Ltmp49, $2  }
0x2d2: {  	_ =	sdelay $0x2  }
0x2d3: {  	v14 =	vlaneseq.u32;
	s22 =	simm.s32 $0x0  }
.LBB2_30:
.Ltmp50:
0x2d4: {  	(pc) =	sbr.rel .LBB2_32-.Ltmp50, $2  }
0x2d5: {  	_ =	sdelay $0x2  }
0x2d6: {  	v14 =	vlaneseq.u32;
	s23 =	simm.s32 $0x0  }
.LBB2_58:
0x2d7: {  	_ =	sfence.sel $0x180000  }
0x2d8: {  	[bflag:$0x0] =	sbarrier.arrive $0xFFFF  }
0x2d9: {  	p0 =	sne.s32 s2, $0x0;
	_ =	strace $0x90000047  }
0x2da: {  	s0 =	sadd.s32 @!p0 $0x100000, s0;
	[bflag:$0x2] =	sbarrier.arrive $0xFFFF  }
0x2db: {  	[sflag:s0] =	ssyncadd.tile.s32 @!p0 $0x1;
	_ =	shalt  }
.Lfunc_end2:
_tile_overlayer_lowered:
.L_overlay_start_2:
0x2dc: {  	(tag) =	ssettag $0x2  }
0x2dd: {  	s0 =	rddreg [dreg:$0x0];
	s2 =	stileid.u32  }
0x2de: {  	s1 =	rddreg [dreg:$0x1];
	p0 =	sne.s32 s2, $0x0  }
0x2df: {  	s3 =	rddreg [dreg:$0x2];
	[bflag:$0x3] =	sbarrier.arrive $0xFFFF;
	s2 =	simm.s32 @!p0 $0x1C03  }
0x2e0: {  	[timem:s3], [sflag:s2] =	dma.local @!p0 [hbm:s0], s1  }
0x2e1: {  	s0 =	simm.s32 @!p0 $0x3  }
0x2e2: {  	_ =	swait.ge @!p0 [sflag:s0], s1  }
0x2e3: {  	s1 =	ssub.s32 @!p0 $0x0, s1;
	[sflag:s0] =	ssyncset.done @!p0 $0x0  }
0x2e4: {  	[sflag:s0] =	ssyncadd.s32 @!p0 s1  }
0x2e5: {  	[bflag:$0x3] =	sbarrier.arrive $0xFFFF  }
0x2e6: {  	_ =	shalt  }

</sc_bundles>
